<compile_context>
chip_gen: v7x
topology: tpu7x:2x2x1
jax: 0.10.2.dev20260603
libtpu: 0.0.44.dev20260713+nightly
codegen_flags: <defaults>
</compile_context>

<pallas_src>
import functools

import jax
import jax.numpy as jnp
import numpy as np
from jax import lax
from jax.experimental import pallas as pl
from jax.experimental.pallas import tpu as pltpu
from jax.experimental.pallas import tpu_sc as plsc

_NUM_CLUSTERS = 100000
_DIM = 64
_NUM_LABELS = 128
_PAD_ID = _NUM_CLUSTERS
_B = 4096
_L = 200

_NC = 2
_NS = 16
_NW = _NC * _NS
_ROWS_PER_W = _B // _NW
_LANES = 16

_VROWS = 100352
_WPR = 40
_CL_PER_W = _VROWS // _NW
_CHUNK = 448
_COLS_PAD = 100096
_LAST_START = _COLS_PAD - _CHUNK

_PERM = np.concatenate([
    np.arange(0, 32, 2), np.arange(1, 32, 2),
    np.arange(32, 64, 2), np.arange(33, 64, 2),
])

_MESH = dict(core_axis_name="c", subcore_axis_name="s")
_CPARAMS = pltpu.CompilerParams(
    use_tc_tiling_on_sc=False, needs_layout_passes=False)


def _sc_pack_table(embT):

    @functools.partial(
        pl.kernel,
        mesh=plsc.VectorSubcoreMesh(**_MESH),
        out_type=jax.ShapeDtypeStruct((_VROWS, 32), jnp.int32),
        compiler_params=_CPARAMS,
        scratch_types=[
            pltpu.VMEM((2, _DIM, _CHUNK), jnp.float32),
            pltpu.VMEM((_CHUNK, _WPR), jnp.int32),
            pltpu.SemaphoreType.DMA((2,)),
        ],
    )
    def k(embT_hbm, out_hbm, in_v, out_v, sem):
        wid = lax.axis_index("s") * _NC + lax.axis_index("c")
        base = wid * _CL_PER_W
        himask = jnp.full((_LANES,), -65536, jnp.int32)
        nch = _CL_PER_W // _CHUNK

        def incp(ch, par):
            c0 = jnp.minimum(base + ch * _CHUNK, _LAST_START)
            return pltpu.make_async_copy(
                embT_hbm.at[:, pl.ds(c0, _CHUNK)], in_v.at[par],
                sem.at[par])

        incp(0, 0).start()

        def chunk(ch, carry):
            par = ch & 1

            @pl.when(ch < nch - 1)
            def _():
                incp(ch + 1, 1 - par).start()

            incp(ch, par).wait()

            def grp(g, carry2):
                rows = lax.iota(jnp.int32, _LANES) + g * _LANES
                for t in range(32):
                    a = plsc.bitcast(
                        in_v[par, 2 * t, pl.ds(g * _LANES, _LANES)],
                        jnp.int32)
                    b = plsc.bitcast(
                        in_v[par, 2 * t + 1, pl.ds(g * _LANES, _LANES)],
                        jnp.int32)
                    w = lax.bitwise_or(
                        lax.shift_right_logical(a, 16),
                        lax.bitwise_and(b, himask))
                    plsc.store_scatter(
                        out_v, [rows, jnp.full((_LANES,), t, jnp.int32)], w)
                return carry2

            lax.fori_loop(0, _CHUNK // _LANES, grp, 0)
            c0 = jnp.minimum(base + ch * _CHUNK, _LAST_START)
            pltpu.sync_copy(out_v.at[:, pl.ds(0, 32)],
                            out_hbm.at[pl.ds(c0, _CHUNK)])
            return carry

        lax.fori_loop(0, nch, chunk, 0)

    return k(embT)


def _sc_gather_sum(ids, packed):

    @functools.partial(
        pl.kernel,
        mesh=plsc.VectorSubcoreMesh(**_MESH),
        out_type=jax.ShapeDtypeStruct((_B, _DIM), jnp.float32),
        compiler_params=_CPARAMS,
        scratch_types=[
            pltpu.VMEM((_ROWS_PER_W, _L), jnp.int32),
            pltpu.VMEM((8, _L, 32), jnp.int32),
            pltpu.VMEM((_ROWS_PER_W, _DIM), jnp.float32),
            pltpu.SemaphoreType.DMA((8,)),
        ],
    )
    def k(ids_hbm, emb_hbm, out_hbm, idx_v, buf_v, acc_v, sem):
        wid = lax.axis_index("s") * _NC + lax.axis_index("c")
        base = wid * _ROWS_PER_W
        pltpu.sync_copy(ids_hbm.at[pl.ds(base, _ROWS_PER_W)], idx_v)

        def copies(r, par):
            return (
                pltpu.make_async_copy(
                    emb_hbm.at[idx_v.at[r, pl.ds(0, 128)]],
                    buf_v.at[par, pl.ds(0, 128)], sem.at[par]),
                pltpu.make_async_copy(
                    emb_hbm.at[idx_v.at[r, pl.ds(128, _L - 128)]],
                    buf_v.at[par, pl.ds(128, _L - 128)], sem.at[par]),
            )

        def fire(r, par):
            for cp in copies(r, par):
                cp.start()

        def drain(r, par):
            for cp in copies(r, par):
                cp.wait()

        for rr in range(7):
            fire(rr, rr)
        himask = jnp.full((_LANES,), -65536, jnp.int32)

        def row(r, carry):
            par = r & 7

            @pl.when(r < _ROWS_PER_W - 7)
            def _():
                fire(r + 7, (r + 7) & 7)

            drain(r, par)

            def red(j, accs):
                a0, a1, a2, a3 = accs
                for u in range(4):
                    for c in range(2):
                        x = buf_v[par, j * 4 + u,
                                  pl.ds(c * _LANES, _LANES)]
                        lo = plsc.bitcast(lax.shift_left(x, 16), jnp.float32)
                        hi = plsc.bitcast(lax.bitwise_and(x, himask),
                                          jnp.float32)
                        if c == 0:
                            a0 = a0 + lo
                            a1 = a1 + hi
                        else:
                            a2 = a2 + lo
                            a3 = a3 + hi
                return (a0, a1, a2, a3)

            zeros = tuple(
                jnp.zeros((_LANES,), jnp.float32) for _ in range(4))
            accs = lax.fori_loop(0, _L // 4, red, zeros)
            for c in range(4):
                acc_v[r, pl.ds(c * _LANES, _LANES)] = accs[c]
            return carry

        lax.fori_loop(0, _ROWS_PER_W, row, 0)
        pltpu.sync_copy(acc_v, out_hbm.at[pl.ds(base, _ROWS_PER_W)])

    return k(ids, packed)


def _tc_head(input_ids, emb_sum, Wp, b2d):

    def body(ids_ref, es_ref, w_ref, b_ref, out_ref):
        ids = ids_ref[...]
        cnt = jnp.sum((ids != _PAD_ID).astype(jnp.float32), axis=1,
                      keepdims=True)
        pooled = es_ref[...] / jnp.maximum(cnt, 1.0)
        out_ref[...] = (
            jnp.dot(pooled, w_ref[...], preferred_element_type=jnp.float32)
            + b_ref[...])

    return pl.pallas_call(
        body,
        out_shape=jax.ShapeDtypeStruct((_B, _NUM_LABELS), jnp.float32),
    )(input_ids, emb_sum, Wp, b2d)


def kernel(input_ids, embedding, W, b):
    ids = input_ids.astype(jnp.int32)
    embTp = jnp.pad(embedding.T, ((0, 0), (0, _COLS_PAD - _NUM_CLUSTERS - 1)))
    packed = _sc_pack_table(embTp)
    emb_sum = _sc_gather_sum(ids, packed)
    Wp = W[jnp.asarray(_PERM), :]
    return _tc_head(ids, emb_sum, Wp, b.reshape(1, _NUM_LABELS))

# --- scband reference (transcript-rebuilt; emitter-appended) ---
"""Pipeline reference for scband-quantized-classifier-19542101197078 (READ-ONLY COPY).

The authoritative reference and input builder live on the scoring server;
editing this copy changes nothing except your own understanding.
"""

import jax, jax.numpy as jnp
import numpy as np

NUM_CLUSTERS = 100000
DIM = 64
NUM_LABELS = 128
PAD_ID = NUM_CLUSTERS
B = 4096
L = 200


def setup_inputs(seed: int = 0) -> dict:
    key = jax.random.key(seed)
    k1, k2, k3 = jax.random.split(key, 3)
    input_ids = jax.random.randint(k1, (B, L), 0, NUM_CLUSTERS + 1)
    embedding = jax.random.normal(k2, (NUM_CLUSTERS + 1, DIM), dtype=jnp.float32) * 0.02
    embedding = embedding.at[PAD_ID, :].set(0.0)
    W = jax.random.normal(k3, (DIM, NUM_LABELS), dtype=jnp.float32) * 0.05
    b = jnp.zeros((NUM_LABELS,), dtype=jnp.float32)
    return {"input_ids": input_ids, "embedding": embedding, "W": W, "b": b}


def reference(input_ids, embedding, W, b):
    # mask out padding tokens
    mask = (input_ids != PAD_ID).astype(jnp.float32)
    lengths = jnp.clip(jnp.sum(mask, axis=1), 1.0)
    # embedding gather (SparseCore-friendly)
    emb = jnp.take(embedding, input_ids, axis=0)  # [B, L, DIM]
    emb_sum = jnp.sum(emb * mask[:, :, None], axis=1)  # [B, DIM]
    pooled = emb_sum / lengths[:, None]
    logits = pooled @ W + b  # [B, NUM_LABELS]
    return logits

if __name__ == "__main__":
    import jax
    _d = setup_inputs()
    print(jax.jit(kernel)(*tuple(_d.values())))

</pallas_src>

<mosaic_0001>
#map = affine_map<(d0, d1) -> (0, 0)>
module attributes {stable_mosaic.version = 14 : i64} {
  func.func @k(%arg0: i32, %arg1: i32, %arg2: memref<64x100096xf32, #tpu.memory_space<hbm>>, %arg3: memref<100352x32xi32, #tpu.memory_space<hbm>>, %arg4: memref<2x64x448xf32, #tpu.memory_space<vmem>>, %arg5: memref<448x40xi32, #tpu.memory_space<vmem>>, %arg6: memref<2x!tpu.dma_semaphore, #tpu.memory_space<semaphore_mem>>) attributes {dimension_semantics = [#tpu.dimension_semantics<core_parallel>, #tpu.dimension_semantics<subcore_parallel>], iteration_bounds = array<i64: 2, 16>, scalar_prefetch = 0 : i64, scratch_operands = 3 : i64, tpu.core_type = #tpu.core_type<sc_vector_subcore>, window_params = [{transform_indices = #map}, {transform_indices = #map}]} {
    %mul3A = arith.constant 2 : i32
    %mul3A_0 = arith.muli %arg1, %mul3A : i32
    %add3A = arith.addi %mul3A_0, %arg0 : i32
    %mul3A_1 = arith.constant 3136 : i32
    %mul3A_2 = arith.muli %add3A, %mul3A_1 : i32
    %broadcast_in_dim3A = arith.constant -65536 : i32
    %broadcast_in_dim3A_3 = vector.broadcast %broadcast_in_dim3A : i32 to vector<16xi32>
    %add3A_4 = arith.constant 0 : i32
    %add3A_5 = arith.addi %mul3A_2, %add3A_4 : i32
    %min3A = arith.constant 99648 : i32
    %min3A_6 = arith.minsi %add3A_5, %min3A : i32
    %dma_start3A = arith.constant 0 : i32
    %dma_start3A_7 = arith.constant 0 : i32
    %dma_start3A_8 = arith.constant 0 : i32
    %dma_start3A_9 = arith.constant 0 : i32
    %dma_start3A_10 = tpu.memref_slice %arg4[%dma_start3A, %dma_start3A_8, %dma_start3A_9] : memref<2x64x448xf32, #tpu.memory_space<vmem>> -> memref<1x64x448xf32, #tpu.memory_space<vmem>>
    %dma_start3A_11 = tpu.memref_squeeze %dma_start3A_10 : memref<1x64x448xf32, #tpu.memory_space<vmem>> -> memref<64x448xf32, #tpu.memory_space<vmem>>
    %dma_start3A_12 = arith.constant 0 : i32
    %dma_start3A_13 = tpu.memref_slice %arg2[%dma_start3A_12, %min3A_6] : memref<64x100096xf32, #tpu.memory_space<hbm>> -> memref<64x448xf32, #tpu.memory_space<hbm>>
    %dma_start3A_14 = tpu.memref_slice %arg6[%dma_start3A_7] : memref<2x!tpu.dma_semaphore, #tpu.memory_space<semaphore_mem>> -> memref<1x!tpu.dma_semaphore, #tpu.memory_space<semaphore_mem>>
    %dma_start3A_15 = tpu.memref_squeeze %dma_start3A_14 : memref<1x!tpu.dma_semaphore, #tpu.memory_space<semaphore_mem>> -> memref<!tpu.dma_semaphore, #tpu.memory_space<semaphore_mem>>
    %dma_start3A_16 = arith.constant 0 : i32
    %dma_start3A_17 = arith.constant 0 : i32
    %dma_start3A_18 = tpu.memref_slice %arg4[%dma_start3A, %dma_start3A_16, %dma_start3A_17] : memref<2x64x448xf32, #tpu.memory_space<vmem>> -> memref<1x64x448xf32, #tpu.memory_space<vmem>>
    %dma_start3A_19 = tpu.memref_squeeze %dma_start3A_18 : memref<1x64x448xf32, #tpu.memory_space<vmem>> -> memref<64x448xf32, #tpu.memory_space<vmem>>
    %dma_start3A_20 = arith.constant 0 : i32
    %dma_start3A_21 = tpu.memref_slice %arg2[%dma_start3A_20, %min3A_6] : memref<64x100096xf32, #tpu.memory_space<hbm>> -> memref<64x448xf32, #tpu.memory_space<hbm>>
    tpu.enqueue_dma source(%dma_start3A_21 : memref<64x448xf32, #tpu.memory_space<hbm>>) target(%dma_start3A_19 : memref<64x448xf32, #tpu.memory_space<vmem>>) target_semaphore(%dma_start3A_15 : memref<!tpu.dma_semaphore, #tpu.memory_space<semaphore_mem>>)
    %scan3A = arith.constant 0 : i32
    %scan3A_22 = arith.constant 0 : i32
    %scan3A_23 = arith.constant 7 : i32
    %scan3A_24 = arith.addi %scan3A_22, %scan3A_23 : i32
    %scan3A_25 = arith.constant 1 : i32
    scf.for %scan3A_27 = %scan3A_22 to %scan3A_24 step %scan3A_25  : i32 {
      %and3A = arith.constant 1 : i32
      %and3A_28 = arith.andi %scan3A_27, %and3A : i32
      %lt3A = arith.constant 6 : i32
      %lt3A_29 = arith.cmpi slt, %scan3A_27, %lt3A : i32
      %convert_element_type3A = arith.extui %lt3A_29 : i1 to i32
      %cond3A = arith.constant 0 : i32
      %cond3A_30 = arith.cmpi ne, %convert_element_type3A, %cond3A : i32
      scf.if %cond3A_30 {
        %add3A_60 = arith.constant 1 : i32
        %add3A_61 = arith.addi %scan3A_27, %add3A_60 : i32
        %sub3A = arith.constant 1 : i32
        %sub3A_62 = arith.subi %sub3A, %and3A_28 : i32
        %mul3A_63 = arith.constant 448 : i32
        %mul3A_64 = arith.muli %add3A_61, %mul3A_63 : i32
        %add3A_65 = arith.addi %mul3A_2, %mul3A_64 : i32
        %min3A_66 = arith.constant 99648 : i32
        %min3A_67 = arith.minsi %add3A_65, %min3A_66 : i32
        %dma_start3A_68 = arith.constant 0 : i32
        %dma_start3A_69 = arith.constant 0 : i32
        %dma_start3A_70 = tpu.memref_slice %arg4[%sub3A_62, %dma_start3A_68, %dma_start3A_69] : memref<2x64x448xf32, #tpu.memory_space<vmem>> -> memref<1x64x448xf32, #tpu.memory_space<vmem>>
        %dma_start3A_71 = tpu.memref_squeeze %dma_start3A_70 : memref<1x64x448xf32, #tpu.memory_space<vmem>> -> memref<64x448xf32, #tpu.memory_space<vmem>>
        %dma_start3A_72 = arith.constant 0 : i32
        %dma_start3A_73 = tpu.memref_slice %arg2[%dma_start3A_72, %min3A_67] : memref<64x100096xf32, #tpu.memory_space<hbm>> -> memref<64x448xf32, #tpu.memory_space<hbm>>
        %dma_start3A_74 = tpu.memref_slice %arg6[%sub3A_62] : memref<2x!tpu.dma_semaphore, #tpu.memory_space<semaphore_mem>> -> memref<1x!tpu.dma_semaphore, #tpu.memory_space<semaphore_mem>>
        %dma_start3A_75 = tpu.memref_squeeze %dma_start3A_74 : memref<1x!tpu.dma_semaphore, #tpu.memory_space<semaphore_mem>> -> memref<!tpu.dma_semaphore, #tpu.memory_space<semaphore_mem>>
        %dma_start3A_76 = arith.constant 0 : i32
        %dma_start3A_77 = arith.constant 0 : i32
        %dma_start3A_78 = tpu.memref_slice %arg4[%sub3A_62, %dma_start3A_76, %dma_start3A_77] : memref<2x64x448xf32, #tpu.memory_space<vmem>> -> memref<1x64x448xf32, #tpu.memory_space<vmem>>
        %dma_start3A_79 = tpu.memref_squeeze %dma_start3A_78 : memref<1x64x448xf32, #tpu.memory_space<vmem>> -> memref<64x448xf32, #tpu.memory_space<vmem>>
        %dma_start3A_80 = arith.constant 0 : i32
        %dma_start3A_81 = tpu.memref_slice %arg2[%dma_start3A_80, %min3A_67] : memref<64x100096xf32, #tpu.memory_space<hbm>> -> memref<64x448xf32, #tpu.memory_space<hbm>>
        tpu.enqueue_dma source(%dma_start3A_81 : memref<64x448xf32, #tpu.memory_space<hbm>>) target(%dma_start3A_79 : memref<64x448xf32, #tpu.memory_space<vmem>>) target_semaphore(%dma_start3A_75 : memref<!tpu.dma_semaphore, #tpu.memory_space<semaphore_mem>>)
      } else {
      }
      %mul3A_31 = arith.constant 448 : i32
      %mul3A_32 = arith.muli %scan3A_27, %mul3A_31 : i32
      %add3A_33 = arith.addi %mul3A_2, %mul3A_32 : i32
      %min3A_34 = arith.constant 99648 : i32
      %min3A_35 = arith.minsi %add3A_33, %min3A_34 : i32
      %dma_wait3A = arith.constant 0 : i32
      %dma_wait3A_36 = arith.constant 0 : i32
      %dma_wait3A_37 = tpu.memref_slice %arg4[%and3A_28, %dma_wait3A, %dma_wait3A_36] : memref<2x64x448xf32, #tpu.memory_space<vmem>> -> memref<1x64x448xf32, #tpu.memory_space<vmem>>
      %dma_wait3A_38 = tpu.memref_squeeze %dma_wait3A_37 : memref<1x64x448xf32, #tpu.memory_space<vmem>> -> memref<64x448xf32, #tpu.memory_space<vmem>>
      %dma_wait3A_39 = arith.constant 0 : i32
      %dma_wait3A_40 = tpu.memref_slice %arg2[%dma_wait3A_39, %min3A_35] : memref<64x100096xf32, #tpu.memory_space<hbm>> -> memref<64x448xf32, #tpu.memory_space<hbm>>
      %dma_wait3A_41 = tpu.memref_slice %arg6[%and3A_28] : memref<2x!tpu.dma_semaphore, #tpu.memory_space<semaphore_mem>> -> memref<1x!tpu.dma_semaphore, #tpu.memory_space<semaphore_mem>>
      %dma_wait3A_42 = tpu.memref_squeeze %dma_wait3A_41 : memref<1x!tpu.dma_semaphore, #tpu.memory_space<semaphore_mem>> -> memref<!tpu.dma_semaphore, #tpu.memory_space<semaphore_mem>>
      %dma_wait3A_43 = arith.constant 0 : i32
      %dma_wait3A_44 = arith.constant 0 : i32
      %dma_wait3A_45 = tpu.memref_slice %arg4[%and3A_28, %dma_wait3A_43, %dma_wait3A_44] : memref<2x64x448xf32, #tpu.memory_space<vmem>> -> memref<1x64x448xf32, #tpu.memory_space<vmem>>
      %dma_wait3A_46 = tpu.memref_squeeze %dma_wait3A_45 : memref<1x64x448xf32, #tpu.memory_space<vmem>> -> memref<64x448xf32, #tpu.memory_space<vmem>>
      %dma_wait3A_47 = arith.constant 0 : i32
      %dma_wait3A_48 = tpu.memref_slice %arg2[%dma_wait3A_47, %min3A_35] : memref<64x100096xf32, #tpu.memory_space<hbm>> -> memref<64x448xf32, #tpu.memory_space<hbm>>
      tpu.wait_dma2 semaphore(%dma_wait3A_42 : memref<!tpu.dma_semaphore, #tpu.memory_space<semaphore_mem>>) src(%dma_wait3A_48 : memref<64x448xf32, #tpu.memory_space<hbm>>) dst(%dma_wait3A_46 : memref<64x448xf32, #tpu.memory_space<vmem>>)
      %scan3A_49 = arith.constant 0 : i32
      %scan3A_50 = arith.constant 0 : i32
      %scan3A_51 = arith.constant 28 : i32
      %scan3A_52 = arith.addi %scan3A_50, %scan3A_51 : i32
      %scan3A_53 = arith.constant 1 : i32
      scf.for %scan3A_60 = %scan3A_50 to %scan3A_52 step %scan3A_53  : i32 {
        %iota3A = tpu.iota {dimensions = array<i32: 0>} : vector<16xi32>
        %mul3A_61 = arith.constant 16 : i32
        %mul3A_62 = arith.muli %scan3A_60, %mul3A_61 : i32
        %add3A_63 = vector.broadcast %mul3A_62 : i32 to vector<16xi32>
        %add3A_64 = arith.addi %iota3A, %add3A_63 : vector<16xi32>
        %mul3A_65 = arith.constant 16 : i32
        %mul3A_66 = arith.muli %scan3A_60, %mul3A_65 : i32
        %get3A = arith.constant 0 : i32
        %get3A_67 = arith.index_cast %and3A_28 : i32 to index
        %get3A_68 = arith.index_cast %get3A : i32 to index
        %get3A_69 = arith.index_cast %mul3A_66 : i32 to index
        %get3A_70 = tpu.vector_load %arg4[%get3A_67, %get3A_68, %get3A_69] {strides = array<i32>} : memref<2x64x448xf32, #tpu.memory_space<vmem>>, vector<16xf32>,
        %bitcast3A = vector.bitcast %get3A_70 : vector<16xf32> to vector<16xi32>
        %mul3A_71 = arith.constant 16 : i32
        %mul3A_72 = arith.muli %scan3A_60, %mul3A_71 : i32
        %get3A_73 = arith.constant 1 : i32
        %get3A_74 = arith.index_cast %and3A_28 : i32 to index
        %get3A_75 = arith.index_cast %get3A_73 : i32 to index
        %get3A_76 = arith.index_cast %mul3A_72 : i32 to index
        %get3A_77 = tpu.vector_load %arg4[%get3A_74, %get3A_75, %get3A_76] {strides = array<i32>} : memref<2x64x448xf32, #tpu.memory_space<vmem>>, vector<16xf32>,
        %bitcast3A_78 = vector.bitcast %get3A_77 : vector<16xf32> to vector<16xi32>
        %shift_right_logical3A = arith.constant 16 : i32
        %shift_right_logical3A_79 = vector.broadcast %shift_right_logical3A : i32 to vector<16xi32>
        %shift_right_logical3A_80 = arith.shrui %bitcast3A, %shift_right_logical3A_79 : vector<16xi32>
        %and3A_81 = arith.andi %bitcast3A_78, %broadcast_in_dim3A_3 : vector<16xi32>
        %or3A = arith.ori %shift_right_logical3A_80, %and3A_81 : vector<16xi32>
        %broadcast_in_dim3A_82 = arith.constant 0 : i32
        %broadcast_in_dim3A_83 = vector.broadcast %broadcast_in_dim3A_82 : i32 to vector<16xi32>
        tpu.vector_store_idx %arg5[%add3A_64, %broadcast_in_dim3A_83], %or3A : memref<448x40xi32, #tpu.memory_space<vmem>>[vector<16xi32>, vector<16xi32>], vector<16xi32>,
        %mul3A_84 = arith.constant 16 : i32
        %mul3A_85 = arith.muli %scan3A_60, %mul3A_84 : i32
        %get3A_86 = arith.constant 2 : i32
        %get3A_87 = arith.index_cast %and3A_28 : i32 to index
        %get3A_88 = arith.index_cast %get3A_86 : i32 to index
        %get3A_89 = arith.index_cast %mul3A_85 : i32 to index
        %get3A_90 = tpu.vector_load %arg4[%get3A_87, %get3A_88, %get3A_89] {strides = array<i32>} : memref<2x64x448xf32, #tpu.memory_space<vmem>>, vector<16xf32>,
        %bitcast3A_91 = vector.bitcast %get3A_90 : vector<16xf32> to vector<16xi32>
        %mul3A_92 = arith.constant 16 : i32
        %mul3A_93 = arith.muli %scan3A_60, %mul3A_92 : i32
        %get3A_94 = arith.constant 3 : i32
        %get3A_95 = arith.index_cast %and3A_28 : i32 to index
        %get3A_96 = arith.index_cast %get3A_94 : i32 to index
        %get3A_97 = arith.index_cast %mul3A_93 : i32 to index
        %get3A_98 = tpu.vector_load %arg4[%get3A_95, %get3A_96, %get3A_97] {strides = array<i32>} : memref<2x64x448xf32, #tpu.memory_space<vmem>>, vector<16xf32>,
        %bitcast3A_99 = vector.bitcast %get3A_98 : vector<16xf32> to vector<16xi32>
        %shift_right_logical3A_100 = arith.constant 16 : i32
        %shift_right_logical3A_101 = vector.broadcast %shift_right_logical3A_100 : i32 to vector<16xi32>
        %shift_right_logical3A_102 = arith.shrui %bitcast3A_91, %shift_right_logical3A_101 : vector<16xi32>
        %and3A_103 = arith.andi %bitcast3A_99, %broadcast_in_dim3A_3 : vector<16xi32>
        %or3A_104 = arith.ori %shift_right_logical3A_102, %and3A_103 : vector<16xi32>
        %broadcast_in_dim3A_105 = arith.constant 1 : i32
        %broadcast_in_dim3A_106 = vector.broadcast %broadcast_in_dim3A_105 : i32 to vector<16xi32>
        tpu.vector_store_idx %arg5[%add3A_64, %broadcast_in_dim3A_106], %or3A_104 : memref<448x40xi32, #tpu.memory_space<vmem>>[vector<16xi32>, vector<16xi32>], vector<16xi32>,
        %mul3A_107 = arith.constant 16 : i32
        %mul3A_108 = arith.muli %scan3A_60, %mul3A_107 : i32
        %get3A_109 = arith.constant 4 : i32
        %get3A_110 = arith.index_cast %and3A_28 : i32 to index
        %get3A_111 = arith.index_cast %get3A_109 : i32 to index
        %get3A_112 = arith.index_cast %mul3A_108 : i32 to index
        %get3A_113 = tpu.vector_load %arg4[%get3A_110, %get3A_111, %get3A_112] {strides = array<i32>} : memref<2x64x448xf32, #tpu.memory_space<vmem>>, vector<16xf32>,
        %bitcast3A_114 = vector.bitcast %get3A_113 : vector<16xf32> to vector<16xi32>
        %mul3A_115 = arith.constant 16 : i32
        %mul3A_116 = arith.muli %scan3A_60, %mul3A_115 : i32
        %get3A_117 = arith.constant 5 : i32
        %get3A_118 = arith.index_cast %and3A_28 : i32 to index
        %get3A_119 = arith.index_cast %get3A_117 : i32 to index
        %get3A_120 = arith.index_cast %mul3A_116 : i32 to index
        %get3A_121 = tpu.vector_load %arg4[%get3A_118, %get3A_119, %get3A_120] {strides = array<i32>} : memref<2x64x448xf32, #tpu.memory_space<vmem>>, vector<16xf32>,
        %bitcast3A_122 = vector.bitcast %get3A_121 : vector<16xf32> to vector<16xi32>
        %shift_right_logical3A_123 = arith.constant 16 : i32
        %shift_right_logical3A_124 = vector.broadcast %shift_right_logical3A_123 : i32 to vector<16xi32>
        %shift_right_logical3A_125 = arith.shrui %bitcast3A_114, %shift_right_logical3A_124 : vector<16xi32>
        %and3A_126 = arith.andi %bitcast3A_122, %broadcast_in_dim3A_3 : vector<16xi32>
        %or3A_127 = arith.ori %shift_right_logical3A_125, %and3A_126 : vector<16xi32>
        %broadcast_in_dim3A_128 = arith.constant 2 : i32
        %broadcast_in_dim3A_129 = vector.broadcast %broadcast_in_dim3A_128 : i32 to vector<16xi32>
        tpu.vector_store_idx %arg5[%add3A_64, %broadcast_in_dim3A_129], %or3A_127 : memref<448x40xi32, #tpu.memory_space<vmem>>[vector<16xi32>, vector<16xi32>], vector<16xi32>,
        %mul3A_130 = arith.constant 16 : i32
        %mul3A_131 = arith.muli %scan3A_60, %mul3A_130 : i32
        %get3A_132 = arith.constant 6 : i32
        %get3A_133 = arith.index_cast %and3A_28 : i32 to index
        %get3A_134 = arith.index_cast %get3A_132 : i32 to index
        %get3A_135 = arith.index_cast %mul3A_131 : i32 to index
        %get3A_136 = tpu.vector_load %arg4[%get3A_133, %get3A_134, %get3A_135] {strides = array<i32>} : memref<2x64x448xf32, #tpu.memory_space<vmem>>, vector<16xf32>,
        %bitcast3A_137 = vector.bitcast %get3A_136 : vector<16xf32> to vector<16xi32>
        %mul3A_138 = arith.constant 16 : i32
        %mul3A_139 = arith.muli %scan3A_60, %mul3A_138 : i32
        %get3A_140 = arith.constant 7 : i32
        %get3A_141 = arith.index_cast %and3A_28 : i32 to index
        %get3A_142 = arith.index_cast %get3A_140 : i32 to index
        %get3A_143 = arith.index_cast %mul3A_139 : i32 to index
        %get3A_144 = tpu.vector_load %arg4[%get3A_141, %get3A_142, %get3A_143] {strides = array<i32>} : memref<2x64x448xf32, #tpu.memory_space<vmem>>, vector<16xf32>,
        %bitcast3A_145 = vector.bitcast %get3A_144 : vector<16xf32> to vector<16xi32>
        %shift_right_logical3A_146 = arith.constant 16 : i32
        %shift_right_logical3A_147 = vector.broadcast %shift_right_logical3A_146 : i32 to vector<16xi32>
        %shift_right_logical3A_148 = arith.shrui %bitcast3A_137, %shift_right_logical3A_147 : vector<16xi32>
        %and3A_149 = arith.andi %bitcast3A_145, %broadcast_in_dim3A_3 : vector<16xi32>
        %or3A_150 = arith.ori %shift_right_logical3A_148, %and3A_149 : vector<16xi32>
        %broadcast_in_dim3A_151 = arith.constant 3 : i32
        %broadcast_in_dim3A_152 = vector.broadcast %broadcast_in_dim3A_151 : i32 to vector<16xi32>
        tpu.vector_store_idx %arg5[%add3A_64, %broadcast_in_dim3A_152], %or3A_150 : memref<448x40xi32, #tpu.memory_space<vmem>>[vector<16xi32>, vector<16xi32>], vector<16xi32>,
        %mul3A_153 = arith.constant 16 : i32
        %mul3A_154 = arith.muli %scan3A_60, %mul3A_153 : i32
        %get3A_155 = arith.constant 8 : i32
        %get3A_156 = arith.index_cast %and3A_28 : i32 to index
        %get3A_157 = arith.index_cast %get3A_155 : i32 to index
        %get3A_158 = arith.index_cast %mul3A_154 : i32 to index
        %get3A_159 = tpu.vector_load %arg4[%get3A_156, %get3A_157, %get3A_158] {strides = array<i32>} : memref<2x64x448xf32, #tpu.memory_space<vmem>>, vector<16xf32>,
        %bitcast3A_160 = vector.bitcast %get3A_159 : vector<16xf32> to vector<16xi32>
        %mul3A_161 = arith.constant 16 : i32
        %mul3A_162 = arith.muli %scan3A_60, %mul3A_161 : i32
        %get3A_163 = arith.constant 9 : i32
        %get3A_164 = arith.index_cast %and3A_28 : i32 to index
        %get3A_165 = arith.index_cast %get3A_163 : i32 to index
        %get3A_166 = arith.index_cast %mul3A_162 : i32 to index
        %get3A_167 = tpu.vector_load %arg4[%get3A_164, %get3A_165, %get3A_166] {strides = array<i32>} : memref<2x64x448xf32, #tpu.memory_space<vmem>>, vector<16xf32>,
        %bitcast3A_168 = vector.bitcast %get3A_167 : vector<16xf32> to vector<16xi32>
        %shift_right_logical3A_169 = arith.constant 16 : i32
        %shift_right_logical3A_170 = vector.broadcast %shift_right_logical3A_169 : i32 to vector<16xi32>
        %shift_right_logical3A_171 = arith.shrui %bitcast3A_160, %shift_right_logical3A_170 : vector<16xi32>
        %and3A_172 = arith.andi %bitcast3A_168, %broadcast_in_dim3A_3 : vector<16xi32>
        %or3A_173 = arith.ori %shift_right_logical3A_171, %and3A_172 : vector<16xi32>
        %broadcast_in_dim3A_174 = arith.constant 4 : i32
        %broadcast_in_dim3A_175 = vector.broadcast %broadcast_in_dim3A_174 : i32 to vector<16xi32>
        tpu.vector_store_idx %arg5[%add3A_64, %broadcast_in_dim3A_175], %or3A_173 : memref<448x40xi32, #tpu.memory_space<vmem>>[vector<16xi32>, vector<16xi32>], vector<16xi32>,
        %mul3A_176 = arith.constant 16 : i32
        %mul3A_177 = arith.muli %scan3A_60, %mul3A_176 : i32
        %get3A_178 = arith.constant 10 : i32
        %get3A_179 = arith.index_cast %and3A_28 : i32 to index
        %get3A_180 = arith.index_cast %get3A_178 : i32 to index
        %get3A_181 = arith.index_cast %mul3A_177 : i32 to index
        %get3A_182 = tpu.vector_load %arg4[%get3A_179, %get3A_180, %get3A_181] {strides = array<i32>} : memref<2x64x448xf32, #tpu.memory_space<vmem>>, vector<16xf32>,
        %bitcast3A_183 = vector.bitcast %get3A_182 : vector<16xf32> to vector<16xi32>
        %mul3A_184 = arith.constant 16 : i32
        %mul3A_185 = arith.muli %scan3A_60, %mul3A_184 : i32
        %get3A_186 = arith.constant 11 : i32
        %get3A_187 = arith.index_cast %and3A_28 : i32 to index
        %get3A_188 = arith.index_cast %get3A_186 : i32 to index
        %get3A_189 = arith.index_cast %mul3A_185 : i32 to index
        %get3A_190 = tpu.vector_load %arg4[%get3A_187, %get3A_188, %get3A_189] {strides = array<i32>} : memref<2x64x448xf32, #tpu.memory_space<vmem>>, vector<16xf32>,
        %bitcast3A_191 = vector.bitcast %get3A_190 : vector<16xf32> to vector<16xi32>
        %shift_right_logical3A_192 = arith.constant 16 : i32
        %shift_right_logical3A_193 = vector.broadcast %shift_right_logical3A_192 : i32 to vector<16xi32>
        %shift_right_logical3A_194 = arith.shrui %bitcast3A_183, %shift_right_logical3A_193 : vector<16xi32>
        %and3A_195 = arith.andi %bitcast3A_191, %broadcast_in_dim3A_3 : vector<16xi32>
        %or3A_196 = arith.ori %shift_right_logical3A_194, %and3A_195 : vector<16xi32>
        %broadcast_in_dim3A_197 = arith.constant 5 : i32
        %broadcast_in_dim3A_198 = vector.broadcast %broadcast_in_dim3A_197 : i32 to vector<16xi32>
        tpu.vector_store_idx %arg5[%add3A_64, %broadcast_in_dim3A_198], %or3A_196 : memref<448x40xi32, #tpu.memory_space<vmem>>[vector<16xi32>, vector<16xi32>], vector<16xi32>,
        %mul3A_199 = arith.constant 16 : i32
        %mul3A_200 = arith.muli %scan3A_60, %mul3A_199 : i32
        %get3A_201 = arith.constant 12 : i32
        %get3A_202 = arith.index_cast %and3A_28 : i32 to index
        %get3A_203 = arith.index_cast %get3A_201 : i32 to index
        %get3A_204 = arith.index_cast %mul3A_200 : i32 to index
        %get3A_205 = tpu.vector_load %arg4[%get3A_202, %get3A_203, %get3A_204] {strides = array<i32>} : memref<2x64x448xf32, #tpu.memory_space<vmem>>, vector<16xf32>,
        %bitcast3A_206 = vector.bitcast %get3A_205 : vector<16xf32> to vector<16xi32>
        %mul3A_207 = arith.constant 16 : i32
        %mul3A_208 = arith.muli %scan3A_60, %mul3A_207 : i32
        %get3A_209 = arith.constant 13 : i32
        %get3A_210 = arith.index_cast %and3A_28 : i32 to index
        %get3A_211 = arith.index_cast %get3A_209 : i32 to index
        %get3A_212 = arith.index_cast %mul3A_208 : i32 to index
        %get3A_213 = tpu.vector_load %arg4[%get3A_210, %get3A_211, %get3A_212] {strides = array<i32>} : memref<2x64x448xf32, #tpu.memory_space<vmem>>, vector<16xf32>,
        %bitcast3A_214 = vector.bitcast %get3A_213 : vector<16xf32> to vector<16xi32>
        %shift_right_logical3A_215 = arith.constant 16 : i32
        %shift_right_logical3A_216 = vector.broadcast %shift_right_logical3A_215 : i32 to vector<16xi32>
        %shift_right_logical3A_217 = arith.shrui %bitcast3A_206, %shift_right_logical3A_216 : vector<16xi32>
        %and3A_218 = arith.andi %bitcast3A_214, %broadcast_in_dim3A_3 : vector<16xi32>
        %or3A_219 = arith.ori %shift_right_logical3A_217, %and3A_218 : vector<16xi32>
        %broadcast_in_dim3A_220 = arith.constant 6 : i32
        %broadcast_in_dim3A_221 = vector.broadcast %broadcast_in_dim3A_220 : i32 to vector<16xi32>
        tpu.vector_store_idx %arg5[%add3A_64, %broadcast_in_dim3A_221], %or3A_219 : memref<448x40xi32, #tpu.memory_space<vmem>>[vector<16xi32>, vector<16xi32>], vector<16xi32>,
        %mul3A_222 = arith.constant 16 : i32
        %mul3A_223 = arith.muli %scan3A_60, %mul3A_222 : i32
        %get3A_224 = arith.constant 14 : i32
        %get3A_225 = arith.index_cast %and3A_28 : i32 to index
        %get3A_226 = arith.index_cast %get3A_224 : i32 to index
        %get3A_227 = arith.index_cast %mul3A_223 : i32 to index
        %get3A_228 = tpu.vector_load %arg4[%get3A_225, %get3A_226, %get3A_227] {strides = array<i32>} : memref<2x64x448xf32, #tpu.memory_space<vmem>>, vector<16xf32>,
        %bitcast3A_229 = vector.bitcast %get3A_228 : vector<16xf32> to vector<16xi32>
        %mul3A_230 = arith.constant 16 : i32
        %mul3A_231 = arith.muli %scan3A_60, %mul3A_230 : i32
        %get3A_232 = arith.constant 15 : i32
        %get3A_233 = arith.index_cast %and3A_28 : i32 to index
        %get3A_234 = arith.index_cast %get3A_232 : i32 to index
        %get3A_235 = arith.index_cast %mul3A_231 : i32 to index
        %get3A_236 = tpu.vector_load %arg4[%get3A_233, %get3A_234, %get3A_235] {strides = array<i32>} : memref<2x64x448xf32, #tpu.memory_space<vmem>>, vector<16xf32>,
        %bitcast3A_237 = vector.bitcast %get3A_236 : vector<16xf32> to vector<16xi32>
        %shift_right_logical3A_238 = arith.constant 16 : i32
        %shift_right_logical3A_239 = vector.broadcast %shift_right_logical3A_238 : i32 to vector<16xi32>
        %shift_right_logical3A_240 = arith.shrui %bitcast3A_229, %shift_right_logical3A_239 : vector<16xi32>
        %and3A_241 = arith.andi %bitcast3A_237, %broadcast_in_dim3A_3 : vector<16xi32>
        %or3A_242 = arith.ori %shift_right_logical3A_240, %and3A_241 : vector<16xi32>
        %broadcast_in_dim3A_243 = arith.constant 7 : i32
        %broadcast_in_dim3A_244 = vector.broadcast %broadcast_in_dim3A_243 : i32 to vector<16xi32>
        tpu.vector_store_idx %arg5[%add3A_64, %broadcast_in_dim3A_244], %or3A_242 : memref<448x40xi32, #tpu.memory_space<vmem>>[vector<16xi32>, vector<16xi32>], vector<16xi32>,
        %mul3A_245 = arith.constant 16 : i32
        %mul3A_246 = arith.muli %scan3A_60, %mul3A_245 : i32
        %get3A_247 = arith.constant 16 : i32
        %get3A_248 = arith.index_cast %and3A_28 : i32 to index
        %get3A_249 = arith.index_cast %get3A_247 : i32 to index
        %get3A_250 = arith.index_cast %mul3A_246 : i32 to index
        %get3A_251 = tpu.vector_load %arg4[%get3A_248, %get3A_249, %get3A_250] {strides = array<i32>} : memref<2x64x448xf32, #tpu.memory_space<vmem>>, vector<16xf32>,
        %bitcast3A_252 = vector.bitcast %get3A_251 : vector<16xf32> to vector<16xi32>
        %mul3A_253 = arith.constant 16 : i32
        %mul3A_254 = arith.muli %scan3A_60, %mul3A_253 : i32
        %get3A_255 = arith.constant 17 : i32
        %get3A_256 = arith.index_cast %and3A_28 : i32 to index
        %get3A_257 = arith.index_cast %get3A_255 : i32 to index
        %get3A_258 = arith.index_cast %mul3A_254 : i32 to index
        %get3A_259 = tpu.vector_load %arg4[%get3A_256, %get3A_257, %get3A_258] {strides = array<i32>} : memref<2x64x448xf32, #tpu.memory_space<vmem>>, vector<16xf32>,
        %bitcast3A_260 = vector.bitcast %get3A_259 : vector<16xf32> to vector<16xi32>
        %shift_right_logical3A_261 = arith.constant 16 : i32
        %shift_right_logical3A_262 = vector.broadcast %shift_right_logical3A_261 : i32 to vector<16xi32>
        %shift_right_logical3A_263 = arith.shrui %bitcast3A_252, %shift_right_logical3A_262 : vector<16xi32>
        %and3A_264 = arith.andi %bitcast3A_260, %broadcast_in_dim3A_3 : vector<16xi32>
        %or3A_265 = arith.ori %shift_right_logical3A_263, %and3A_264 : vector<16xi32>
        %broadcast_in_dim3A_266 = arith.constant 8 : i32
        %broadcast_in_dim3A_267 = vector.broadcast %broadcast_in_dim3A_266 : i32 to vector<16xi32>
        tpu.vector_store_idx %arg5[%add3A_64, %broadcast_in_dim3A_267], %or3A_265 : memref<448x40xi32, #tpu.memory_space<vmem>>[vector<16xi32>, vector<16xi32>], vector<16xi32>,
        %mul3A_268 = arith.constant 16 : i32
        %mul3A_269 = arith.muli %scan3A_60, %mul3A_268 : i32
        %get3A_270 = arith.constant 18 : i32
        %get3A_271 = arith.index_cast %and3A_28 : i32 to index
        %get3A_272 = arith.index_cast %get3A_270 : i32 to index
        %get3A_273 = arith.index_cast %mul3A_269 : i32 to index
        %get3A_274 = tpu.vector_load %arg4[%get3A_271, %get3A_272, %get3A_273] {strides = array<i32>} : memref<2x64x448xf32, #tpu.memory_space<vmem>>, vector<16xf32>,
        %bitcast3A_275 = vector.bitcast %get3A_274 : vector<16xf32> to vector<16xi32>
        %mul3A_276 = arith.constant 16 : i32
        %mul3A_277 = arith.muli %scan3A_60, %mul3A_276 : i32
        %get3A_278 = arith.constant 19 : i32
        %get3A_279 = arith.index_cast %and3A_28 : i32 to index
        %get3A_280 = arith.index_cast %get3A_278 : i32 to index
        %get3A_281 = arith.index_cast %mul3A_277 : i32 to index
        %get3A_282 = tpu.vector_load %arg4[%get3A_279, %get3A_280, %get3A_281] {strides = array<i32>} : memref<2x64x448xf32, #tpu.memory_space<vmem>>, vector<16xf32>,
        %bitcast3A_283 = vector.bitcast %get3A_282 : vector<16xf32> to vector<16xi32>
        %shift_right_logical3A_284 = arith.constant 16 : i32
        %shift_right_logical3A_285 = vector.broadcast %shift_right_logical3A_284 : i32 to vector<16xi32>
        %shift_right_logical3A_286 = arith.shrui %bitcast3A_275, %shift_right_logical3A_285 : vector<16xi32>
        %and3A_287 = arith.andi %bitcast3A_283, %broadcast_in_dim3A_3 : vector<16xi32>
        %or3A_288 = arith.ori %shift_right_logical3A_286, %and3A_287 : vector<16xi32>
        %broadcast_in_dim3A_289 = arith.constant 9 : i32
        %broadcast_in_dim3A_290 = vector.broadcast %broadcast_in_dim3A_289 : i32 to vector<16xi32>
        tpu.vector_store_idx %arg5[%add3A_64, %broadcast_in_dim3A_290], %or3A_288 : memref<448x40xi32, #tpu.memory_space<vmem>>[vector<16xi32>, vector<16xi32>], vector<16xi32>,
        %mul3A_291 = arith.constant 16 : i32
        %mul3A_292 = arith.muli %scan3A_60, %mul3A_291 : i32
        %get3A_293 = arith.constant 20 : i32
        %get3A_294 = arith.index_cast %and3A_28 : i32 to index
        %get3A_295 = arith.index_cast %get3A_293 : i32 to index
        %get3A_296 = arith.index_cast %mul3A_292 : i32 to index
        %get3A_297 = tpu.vector_load %arg4[%get3A_294, %get3A_295, %get3A_296] {strides = array<i32>} : memref<2x64x448xf32, #tpu.memory_space<vmem>>, vector<16xf32>,
        %bitcast3A_298 = vector.bitcast %get3A_297 : vector<16xf32> to vector<16xi32>
        %mul3A_299 = arith.constant 16 : i32
        %mul3A_300 = arith.muli %scan3A_60, %mul3A_299 : i32
        %get3A_301 = arith.constant 21 : i32
        %get3A_302 = arith.index_cast %and3A_28 : i32 to index
        %get3A_303 = arith.index_cast %get3A_301 : i32 to index
        %get3A_304 = arith.index_cast %mul3A_300 : i32 to index
        %get3A_305 = tpu.vector_load %arg4[%get3A_302, %get3A_303, %get3A_304] {strides = array<i32>} : memref<2x64x448xf32, #tpu.memory_space<vmem>>, vector<16xf32>,
        %bitcast3A_306 = vector.bitcast %get3A_305 : vector<16xf32> to vector<16xi32>
        %shift_right_logical3A_307 = arith.constant 16 : i32
        %shift_right_logical3A_308 = vector.broadcast %shift_right_logical3A_307 : i32 to vector<16xi32>
        %shift_right_logical3A_309 = arith.shrui %bitcast3A_298, %shift_right_logical3A_308 : vector<16xi32>
        %and3A_310 = arith.andi %bitcast3A_306, %broadcast_in_dim3A_3 : vector<16xi32>
        %or3A_311 = arith.ori %shift_right_logical3A_309, %and3A_310 : vector<16xi32>
        %broadcast_in_dim3A_312 = arith.constant 10 : i32
        %broadcast_in_dim3A_313 = vector.broadcast %broadcast_in_dim3A_312 : i32 to vector<16xi32>
        tpu.vector_store_idx %arg5[%add3A_64, %broadcast_in_dim3A_313], %or3A_311 : memref<448x40xi32, #tpu.memory_space<vmem>>[vector<16xi32>, vector<16xi32>], vector<16xi32>,
        %mul3A_314 = arith.constant 16 : i32
        %mul3A_315 = arith.muli %scan3A_60, %mul3A_314 : i32
        %get3A_316 = arith.constant 22 : i32
        %get3A_317 = arith.index_cast %and3A_28 : i32 to index
        %get3A_318 = arith.index_cast %get3A_316 : i32 to index
        %get3A_319 = arith.index_cast %mul3A_315 : i32 to index
        %get3A_320 = tpu.vector_load %arg4[%get3A_317, %get3A_318, %get3A_319] {strides = array<i32>} : memref<2x64x448xf32, #tpu.memory_space<vmem>>, vector<16xf32>,
        %bitcast3A_321 = vector.bitcast %get3A_320 : vector<16xf32> to vector<16xi32>
        %mul3A_322 = arith.constant 16 : i32
        %mul3A_323 = arith.muli %scan3A_60, %mul3A_322 : i32
        %get3A_324 = arith.constant 23 : i32
        %get3A_325 = arith.index_cast %and3A_28 : i32 to index
        %get3A_326 = arith.index_cast %get3A_324 : i32 to index
        %get3A_327 = arith.index_cast %mul3A_323 : i32 to index
        %get3A_328 = tpu.vector_load %arg4[%get3A_325, %get3A_326, %get3A_327] {strides = array<i32>} : memref<2x64x448xf32, #tpu.memory_space<vmem>>, vector<16xf32>,
        %bitcast3A_329 = vector.bitcast %get3A_328 : vector<16xf32> to vector<16xi32>
        %shift_right_logical3A_330 = arith.constant 16 : i32
        %shift_right_logical3A_331 = vector.broadcast %shift_right_logical3A_330 : i32 to vector<16xi32>
        %shift_right_logical3A_332 = arith.shrui %bitcast3A_321, %shift_right_logical3A_331 : vector<16xi32>
        %and3A_333 = arith.andi %bitcast3A_329, %broadcast_in_dim3A_3 : vector<16xi32>
        %or3A_334 = arith.ori %shift_right_logical3A_332, %and3A_333 : vector<16xi32>
        %broadcast_in_dim3A_335 = arith.constant 11 : i32
        %broadcast_in_dim3A_336 = vector.broadcast %broadcast_in_dim3A_335 : i32 to vector<16xi32>
        tpu.vector_store_idx %arg5[%add3A_64, %broadcast_in_dim3A_336], %or3A_334 : memref<448x40xi32, #tpu.memory_space<vmem>>[vector<16xi32>, vector<16xi32>], vector<16xi32>,
        %mul3A_337 = arith.constant 16 : i32
        %mul3A_338 = arith.muli %scan3A_60, %mul3A_337 : i32
        %get3A_339 = arith.constant 24 : i32
        %get3A_340 = arith.index_cast %and3A_28 : i32 to index
        %get3A_341 = arith.index_cast %get3A_339 : i32 to index
        %get3A_342 = arith.index_cast %mul3A_338 : i32 to index
        %get3A_343 = tpu.vector_load %arg4[%get3A_340, %get3A_341, %get3A_342] {strides = array<i32>} : memref<2x64x448xf32, #tpu.memory_space<vmem>>, vector<16xf32>,
        %bitcast3A_344 = vector.bitcast %get3A_343 : vector<16xf32> to vector<16xi32>
        %mul3A_345 = arith.constant 16 : i32
        %mul3A_346 = arith.muli %scan3A_60, %mul3A_345 : i32
        %get3A_347 = arith.constant 25 : i32
        %get3A_348 = arith.index_cast %and3A_28 : i32 to index
        %get3A_349 = arith.index_cast %get3A_347 : i32 to index
        %get3A_350 = arith.index_cast %mul3A_346 : i32 to index
        %get3A_351 = tpu.vector_load %arg4[%get3A_348, %get3A_349, %get3A_350] {strides = array<i32>} : memref<2x64x448xf32, #tpu.memory_space<vmem>>, vector<16xf32>,
        %bitcast3A_352 = vector.bitcast %get3A_351 : vector<16xf32> to vector<16xi32>
        %shift_right_logical3A_353 = arith.constant 16 : i32
        %shift_right_logical3A_354 = vector.broadcast %shift_right_logical3A_353 : i32 to vector<16xi32>
        %shift_right_logical3A_355 = arith.shrui %bitcast3A_344, %shift_right_logical3A_354 : vector<16xi32>
        %and3A_356 = arith.andi %bitcast3A_352, %broadcast_in_dim3A_3 : vector<16xi32>
        %or3A_357 = arith.ori %shift_right_logical3A_355, %and3A_356 : vector<16xi32>
        %broadcast_in_dim3A_358 = arith.constant 12 : i32
        %broadcast_in_dim3A_359 = vector.broadcast %broadcast_in_dim3A_358 : i32 to vector<16xi32>
        tpu.vector_store_idx %arg5[%add3A_64, %broadcast_in_dim3A_359], %or3A_357 : memref<448x40xi32, #tpu.memory_space<vmem>>[vector<16xi32>, vector<16xi32>], vector<16xi32>,
        %mul3A_360 = arith.constant 16 : i32
        %mul3A_361 = arith.muli %scan3A_60, %mul3A_360 : i32
        %get3A_362 = arith.constant 26 : i32
        %get3A_363 = arith.index_cast %and3A_28 : i32 to index
        %get3A_364 = arith.index_cast %get3A_362 : i32 to index
        %get3A_365 = arith.index_cast %mul3A_361 : i32 to index
        %get3A_366 = tpu.vector_load %arg4[%get3A_363, %get3A_364, %get3A_365] {strides = array<i32>} : memref<2x64x448xf32, #tpu.memory_space<vmem>>, vector<16xf32>,
        %bitcast3A_367 = vector.bitcast %get3A_366 : vector<16xf32> to vector<16xi32>
        %mul3A_368 = arith.constant 16 : i32
        %mul3A_369 = arith.muli %scan3A_60, %mul3A_368 : i32
        %get3A_370 = arith.constant 27 : i32
        %get3A_371 = arith.index_cast %and3A_28 : i32 to index
        %get3A_372 = arith.index_cast %get3A_370 : i32 to index
        %get3A_373 = arith.index_cast %mul3A_369 : i32 to index
        %get3A_374 = tpu.vector_load %arg4[%get3A_371, %get3A_372, %get3A_373] {strides = array<i32>} : memref<2x64x448xf32, #tpu.memory_space<vmem>>, vector<16xf32>,
        %bitcast3A_375 = vector.bitcast %get3A_374 : vector<16xf32> to vector<16xi32>
        %shift_right_logical3A_376 = arith.constant 16 : i32
        %shift_right_logical3A_377 = vector.broadcast %shift_right_logical3A_376 : i32 to vector<16xi32>
        %shift_right_logical3A_378 = arith.shrui %bitcast3A_367, %shift_right_logical3A_377 : vector<16xi32>
        %and3A_379 = arith.andi %bitcast3A_375, %broadcast_in_dim3A_3 : vector<16xi32>
        %or3A_380 = arith.ori %shift_right_logical3A_378, %and3A_379 : vector<16xi32>
        %broadcast_in_dim3A_381 = arith.constant 13 : i32
        %broadcast_in_dim3A_382 = vector.broadcast %broadcast_in_dim3A_381 : i32 to vector<16xi32>
        tpu.vector_store_idx %arg5[%add3A_64, %broadcast_in_dim3A_382], %or3A_380 : memref<448x40xi32, #tpu.memory_space<vmem>>[vector<16xi32>, vector<16xi32>], vector<16xi32>,
        %mul3A_383 = arith.constant 16 : i32
        %mul3A_384 = arith.muli %scan3A_60, %mul3A_383 : i32
        %get3A_385 = arith.constant 28 : i32
        %get3A_386 = arith.index_cast %and3A_28 : i32 to index
        %get3A_387 = arith.index_cast %get3A_385 : i32 to index
        %get3A_388 = arith.index_cast %mul3A_384 : i32 to index
        %get3A_389 = tpu.vector_load %arg4[%get3A_386, %get3A_387, %get3A_388] {strides = array<i32>} : memref<2x64x448xf32, #tpu.memory_space<vmem>>, vector<16xf32>,
        %bitcast3A_390 = vector.bitcast %get3A_389 : vector<16xf32> to vector<16xi32>
        %mul3A_391 = arith.constant 16 : i32
        %mul3A_392 = arith.muli %scan3A_60, %mul3A_391 : i32
        %get3A_393 = arith.constant 29 : i32
        %get3A_394 = arith.index_cast %and3A_28 : i32 to index
        %get3A_395 = arith.index_cast %get3A_393 : i32 to index
        %get3A_396 = arith.index_cast %mul3A_392 : i32 to index
        %get3A_397 = tpu.vector_load %arg4[%get3A_394, %get3A_395, %get3A_396] {strides = array<i32>} : memref<2x64x448xf32, #tpu.memory_space<vmem>>, vector<16xf32>,
        %bitcast3A_398 = vector.bitcast %get3A_397 : vector<16xf32> to vector<16xi32>
        %shift_right_logical3A_399 = arith.constant 16 : i32
        %shift_right_logical3A_400 = vector.broadcast %shift_right_logical3A_399 : i32 to vector<16xi32>
        %shift_right_logical3A_401 = arith.shrui %bitcast3A_390, %shift_right_logical3A_400 : vector<16xi32>
        %and3A_402 = arith.andi %bitcast3A_398, %broadcast_in_dim3A_3 : vector<16xi32>
        %or3A_403 = arith.ori %shift_right_logical3A_401, %and3A_402 : vector<16xi32>
        %broadcast_in_dim3A_404 = arith.constant 14 : i32
        %broadcast_in_dim3A_405 = vector.broadcast %broadcast_in_dim3A_404 : i32 to vector<16xi32>
        tpu.vector_store_idx %arg5[%add3A_64, %broadcast_in_dim3A_405], %or3A_403 : memref<448x40xi32, #tpu.memory_space<vmem>>[vector<16xi32>, vector<16xi32>], vector<16xi32>,
        %mul3A_406 = arith.constant 16 : i32
        %mul3A_407 = arith.muli %scan3A_60, %mul3A_406 : i32
        %get3A_408 = arith.constant 30 : i32
        %get3A_409 = arith.index_cast %and3A_28 : i32 to index
        %get3A_410 = arith.index_cast %get3A_408 : i32 to index
        %get3A_411 = arith.index_cast %mul3A_407 : i32 to index
        %get3A_412 = tpu.vector_load %arg4[%get3A_409, %get3A_410, %get3A_411] {strides = array<i32>} : memref<2x64x448xf32, #tpu.memory_space<vmem>>, vector<16xf32>,
        %bitcast3A_413 = vector.bitcast %get3A_412 : vector<16xf32> to vector<16xi32>
        %mul3A_414 = arith.constant 16 : i32
        %mul3A_415 = arith.muli %scan3A_60, %mul3A_414 : i32
        %get3A_416 = arith.constant 31 : i32
        %get3A_417 = arith.index_cast %and3A_28 : i32 to index
        %get3A_418 = arith.index_cast %get3A_416 : i32 to index
        %get3A_419 = arith.index_cast %mul3A_415 : i32 to index
        %get3A_420 = tpu.vector_load %arg4[%get3A_417, %get3A_418, %get3A_419] {strides = array<i32>} : memref<2x64x448xf32, #tpu.memory_space<vmem>>, vector<16xf32>,
        %bitcast3A_421 = vector.bitcast %get3A_420 : vector<16xf32> to vector<16xi32>
        %shift_right_logical3A_422 = arith.constant 16 : i32
        %shift_right_logical3A_423 = vector.broadcast %shift_right_logical3A_422 : i32 to vector<16xi32>
        %shift_right_logical3A_424 = arith.shrui %bitcast3A_413, %shift_right_logical3A_423 : vector<16xi32>
        %and3A_425 = arith.andi %bitcast3A_421, %broadcast_in_dim3A_3 : vector<16xi32>
        %or3A_426 = arith.ori %shift_right_logical3A_424, %and3A_425 : vector<16xi32>
        %broadcast_in_dim3A_427 = arith.constant 15 : i32
        %broadcast_in_dim3A_428 = vector.broadcast %broadcast_in_dim3A_427 : i32 to vector<16xi32>
        tpu.vector_store_idx %arg5[%add3A_64, %broadcast_in_dim3A_428], %or3A_426 : memref<448x40xi32, #tpu.memory_space<vmem>>[vector<16xi32>, vector<16xi32>], vector<16xi32>,
        %mul3A_429 = arith.constant 16 : i32
        %mul3A_430 = arith.muli %scan3A_60, %mul3A_429 : i32
        %get3A_431 = arith.constant 32 : i32
        %get3A_432 = arith.index_cast %and3A_28 : i32 to index
        %get3A_433 = arith.index_cast %get3A_431 : i32 to index
        %get3A_434 = arith.index_cast %mul3A_430 : i32 to index
        %get3A_435 = tpu.vector_load %arg4[%get3A_432, %get3A_433, %get3A_434] {strides = array<i32>} : memref<2x64x448xf32, #tpu.memory_space<vmem>>, vector<16xf32>,
        %bitcast3A_436 = vector.bitcast %get3A_435 : vector<16xf32> to vector<16xi32>
        %mul3A_437 = arith.constant 16 : i32
        %mul3A_438 = arith.muli %scan3A_60, %mul3A_437 : i32
        %get3A_439 = arith.constant 33 : i32
        %get3A_440 = arith.index_cast %and3A_28 : i32 to index
        %get3A_441 = arith.index_cast %get3A_439 : i32 to index
        %get3A_442 = arith.index_cast %mul3A_438 : i32 to index
        %get3A_443 = tpu.vector_load %arg4[%get3A_440, %get3A_441, %get3A_442] {strides = array<i32>} : memref<2x64x448xf32, #tpu.memory_space<vmem>>, vector<16xf32>,
        %bitcast3A_444 = vector.bitcast %get3A_443 : vector<16xf32> to vector<16xi32>
        %shift_right_logical3A_445 = arith.constant 16 : i32
        %shift_right_logical3A_446 = vector.broadcast %shift_right_logical3A_445 : i32 to vector<16xi32>
        %shift_right_logical3A_447 = arith.shrui %bitcast3A_436, %shift_right_logical3A_446 : vector<16xi32>
        %and3A_448 = arith.andi %bitcast3A_444, %broadcast_in_dim3A_3 : vector<16xi32>
        %or3A_449 = arith.ori %shift_right_logical3A_447, %and3A_448 : vector<16xi32>
        %broadcast_in_dim3A_450 = arith.constant 16 : i32
        %broadcast_in_dim3A_451 = vector.broadcast %broadcast_in_dim3A_450 : i32 to vector<16xi32>
        tpu.vector_store_idx %arg5[%add3A_64, %broadcast_in_dim3A_451], %or3A_449 : memref<448x40xi32, #tpu.memory_space<vmem>>[vector<16xi32>, vector<16xi32>], vector<16xi32>,
        %mul3A_452 = arith.constant 16 : i32
        %mul3A_453 = arith.muli %scan3A_60, %mul3A_452 : i32
        %get3A_454 = arith.constant 34 : i32
        %get3A_455 = arith.index_cast %and3A_28 : i32 to index
        %get3A_456 = arith.index_cast %get3A_454 : i32 to index
        %get3A_457 = arith.index_cast %mul3A_453 : i32 to index
        %get3A_458 = tpu.vector_load %arg4[%get3A_455, %get3A_456, %get3A_457] {strides = array<i32>} : memref<2x64x448xf32, #tpu.memory_space<vmem>>, vector<16xf32>,
        %bitcast3A_459 = vector.bitcast %get3A_458 : vector<16xf32> to vector<16xi32>
        %mul3A_460 = arith.constant 16 : i32
        %mul3A_461 = arith.muli %scan3A_60, %mul3A_460 : i32
        %get3A_462 = arith.constant 35 : i32
        %get3A_463 = arith.index_cast %and3A_28 : i32 to index
        %get3A_464 = arith.index_cast %get3A_462 : i32 to index
        %get3A_465 = arith.index_cast %mul3A_461 : i32 to index
        %get3A_466 = tpu.vector_load %arg4[%get3A_463, %get3A_464, %get3A_465] {strides = array<i32>} : memref<2x64x448xf32, #tpu.memory_space<vmem>>, vector<16xf32>,
        %bitcast3A_467 = vector.bitcast %get3A_466 : vector<16xf32> to vector<16xi32>
        %shift_right_logical3A_468 = arith.constant 16 : i32
        %shift_right_logical3A_469 = vector.broadcast %shift_right_logical3A_468 : i32 to vector<16xi32>
        %shift_right_logical3A_470 = arith.shrui %bitcast3A_459, %shift_right_logical3A_469 : vector<16xi32>
        %and3A_471 = arith.andi %bitcast3A_467, %broadcast_in_dim3A_3 : vector<16xi32>
        %or3A_472 = arith.ori %shift_right_logical3A_470, %and3A_471 : vector<16xi32>
        %broadcast_in_dim3A_473 = arith.constant 17 : i32
        %broadcast_in_dim3A_474 = vector.broadcast %broadcast_in_dim3A_473 : i32 to vector<16xi32>
        tpu.vector_store_idx %arg5[%add3A_64, %broadcast_in_dim3A_474], %or3A_472 : memref<448x40xi32, #tpu.memory_space<vmem>>[vector<16xi32>, vector<16xi32>], vector<16xi32>,
        %mul3A_475 = arith.constant 16 : i32
        %mul3A_476 = arith.muli %scan3A_60, %mul3A_475 : i32
        %get3A_477 = arith.constant 36 : i32
        %get3A_478 = arith.index_cast %and3A_28 : i32 to index
        %get3A_479 = arith.index_cast %get3A_477 : i32 to index
        %get3A_480 = arith.index_cast %mul3A_476 : i32 to index
        %get3A_481 = tpu.vector_load %arg4[%get3A_478, %get3A_479, %get3A_480] {strides = array<i32>} : memref<2x64x448xf32, #tpu.memory_space<vmem>>, vector<16xf32>,
        %bitcast3A_482 = vector.bitcast %get3A_481 : vector<16xf32> to vector<16xi32>
        %mul3A_483 = arith.constant 16 : i32
        %mul3A_484 = arith.muli %scan3A_60, %mul3A_483 : i32
        %get3A_485 = arith.constant 37 : i32
        %get3A_486 = arith.index_cast %and3A_28 : i32 to index
        %get3A_487 = arith.index_cast %get3A_485 : i32 to index
        %get3A_488 = arith.index_cast %mul3A_484 : i32 to index
        %get3A_489 = tpu.vector_load %arg4[%get3A_486, %get3A_487, %get3A_488] {strides = array<i32>} : memref<2x64x448xf32, #tpu.memory_space<vmem>>, vector<16xf32>,
        %bitcast3A_490 = vector.bitcast %get3A_489 : vector<16xf32> to vector<16xi32>
        %shift_right_logical3A_491 = arith.constant 16 : i32
        %shift_right_logical3A_492 = vector.broadcast %shift_right_logical3A_491 : i32 to vector<16xi32>
        %shift_right_logical3A_493 = arith.shrui %bitcast3A_482, %shift_right_logical3A_492 : vector<16xi32>
        %and3A_494 = arith.andi %bitcast3A_490, %broadcast_in_dim3A_3 : vector<16xi32>
        %or3A_495 = arith.ori %shift_right_logical3A_493, %and3A_494 : vector<16xi32>
        %broadcast_in_dim3A_496 = arith.constant 18 : i32
        %broadcast_in_dim3A_497 = vector.broadcast %broadcast_in_dim3A_496 : i32 to vector<16xi32>
        tpu.vector_store_idx %arg5[%add3A_64, %broadcast_in_dim3A_497], %or3A_495 : memref<448x40xi32, #tpu.memory_space<vmem>>[vector<16xi32>, vector<16xi32>], vector<16xi32>,
        %mul3A_498 = arith.constant 16 : i32
        %mul3A_499 = arith.muli %scan3A_60, %mul3A_498 : i32
        %get3A_500 = arith.constant 38 : i32
        %get3A_501 = arith.index_cast %and3A_28 : i32 to index
        %get3A_502 = arith.index_cast %get3A_500 : i32 to index
        %get3A_503 = arith.index_cast %mul3A_499 : i32 to index
        %get3A_504 = tpu.vector_load %arg4[%get3A_501, %get3A_502, %get3A_503] {strides = array<i32>} : memref<2x64x448xf32, #tpu.memory_space<vmem>>, vector<16xf32>,
        %bitcast3A_505 = vector.bitcast %get3A_504 : vector<16xf32> to vector<16xi32>
        %mul3A_506 = arith.constant 16 : i32
        %mul3A_507 = arith.muli %scan3A_60, %mul3A_506 : i32
        %get3A_508 = arith.constant 39 : i32
        %get3A_509 = arith.index_cast %and3A_28 : i32 to index
        %get3A_510 = arith.index_cast %get3A_508 : i32 to index
        %get3A_511 = arith.index_cast %mul3A_507 : i32 to index
        %get3A_512 = tpu.vector_load %arg4[%get3A_509, %get3A_510, %get3A_511] {strides = array<i32>} : memref<2x64x448xf32, #tpu.memory_space<vmem>>, vector<16xf32>,
        %bitcast3A_513 = vector.bitcast %get3A_512 : vector<16xf32> to vector<16xi32>
        %shift_right_logical3A_514 = arith.constant 16 : i32
        %shift_right_logical3A_515 = vector.broadcast %shift_right_logical3A_514 : i32 to vector<16xi32>
        %shift_right_logical3A_516 = arith.shrui %bitcast3A_505, %shift_right_logical3A_515 : vector<16xi32>
        %and3A_517 = arith.andi %bitcast3A_513, %broadcast_in_dim3A_3 : vector<16xi32>
        %or3A_518 = arith.ori %shift_right_logical3A_516, %and3A_517 : vector<16xi32>
        %broadcast_in_dim3A_519 = arith.constant 19 : i32
        %broadcast_in_dim3A_520 = vector.broadcast %broadcast_in_dim3A_519 : i32 to vector<16xi32>
        tpu.vector_store_idx %arg5[%add3A_64, %broadcast_in_dim3A_520], %or3A_518 : memref<448x40xi32, #tpu.memory_space<vmem>>[vector<16xi32>, vector<16xi32>], vector<16xi32>,
        %mul3A_521 = arith.constant 16 : i32
        %mul3A_522 = arith.muli %scan3A_60, %mul3A_521 : i32
        %get3A_523 = arith.constant 40 : i32
        %get3A_524 = arith.index_cast %and3A_28 : i32 to index
        %get3A_525 = arith.index_cast %get3A_523 : i32 to index
        %get3A_526 = arith.index_cast %mul3A_522 : i32 to index
        %get3A_527 = tpu.vector_load %arg4[%get3A_524, %get3A_525, %get3A_526] {strides = array<i32>} : memref<2x64x448xf32, #tpu.memory_space<vmem>>, vector<16xf32>,
        %bitcast3A_528 = vector.bitcast %get3A_527 : vector<16xf32> to vector<16xi32>
        %mul3A_529 = arith.constant 16 : i32
        %mul3A_530 = arith.muli %scan3A_60, %mul3A_529 : i32
        %get3A_531 = arith.constant 41 : i32
        %get3A_532 = arith.index_cast %and3A_28 : i32 to index
        %get3A_533 = arith.index_cast %get3A_531 : i32 to index
        %get3A_534 = arith.index_cast %mul3A_530 : i32 to index
        %get3A_535 = tpu.vector_load %arg4[%get3A_532, %get3A_533, %get3A_534] {strides = array<i32>} : memref<2x64x448xf32, #tpu.memory_space<vmem>>, vector<16xf32>,
        %bitcast3A_536 = vector.bitcast %get3A_535 : vector<16xf32> to vector<16xi32>
        %shift_right_logical3A_537 = arith.constant 16 : i32
        %shift_right_logical3A_538 = vector.broadcast %shift_right_logical3A_537 : i32 to vector<16xi32>
        %shift_right_logical3A_539 = arith.shrui %bitcast3A_528, %shift_right_logical3A_538 : vector<16xi32>
        %and3A_540 = arith.andi %bitcast3A_536, %broadcast_in_dim3A_3 : vector<16xi32>
        %or3A_541 = arith.ori %shift_right_logical3A_539, %and3A_540 : vector<16xi32>
        %broadcast_in_dim3A_542 = arith.constant 20 : i32
        %broadcast_in_dim3A_543 = vector.broadcast %broadcast_in_dim3A_542 : i32 to vector<16xi32>
        tpu.vector_store_idx %arg5[%add3A_64, %broadcast_in_dim3A_543], %or3A_541 : memref<448x40xi32, #tpu.memory_space<vmem>>[vector<16xi32>, vector<16xi32>], vector<16xi32>,
        %mul3A_544 = arith.constant 16 : i32
        %mul3A_545 = arith.muli %scan3A_60, %mul3A_544 : i32
        %get3A_546 = arith.constant 42 : i32
        %get3A_547 = arith.index_cast %and3A_28 : i32 to index
        %get3A_548 = arith.index_cast %get3A_546 : i32 to index
        %get3A_549 = arith.index_cast %mul3A_545 : i32 to index
        %get3A_550 = tpu.vector_load %arg4[%get3A_547, %get3A_548, %get3A_549] {strides = array<i32>} : memref<2x64x448xf32, #tpu.memory_space<vmem>>, vector<16xf32>,
        %bitcast3A_551 = vector.bitcast %get3A_550 : vector<16xf32> to vector<16xi32>
        %mul3A_552 = arith.constant 16 : i32
        %mul3A_553 = arith.muli %scan3A_60, %mul3A_552 : i32
        %get3A_554 = arith.constant 43 : i32
        %get3A_555 = arith.index_cast %and3A_28 : i32 to index
        %get3A_556 = arith.index_cast %get3A_554 : i32 to index
        %get3A_557 = arith.index_cast %mul3A_553 : i32 to index
        %get3A_558 = tpu.vector_load %arg4[%get3A_555, %get3A_556, %get3A_557] {strides = array<i32>} : memref<2x64x448xf32, #tpu.memory_space<vmem>>, vector<16xf32>,
        %bitcast3A_559 = vector.bitcast %get3A_558 : vector<16xf32> to vector<16xi32>
        %shift_right_logical3A_560 = arith.constant 16 : i32
        %shift_right_logical3A_561 = vector.broadcast %shift_right_logical3A_560 : i32 to vector<16xi32>
        %shift_right_logical3A_562 = arith.shrui %bitcast3A_551, %shift_right_logical3A_561 : vector<16xi32>
        %and3A_563 = arith.andi %bitcast3A_559, %broadcast_in_dim3A_3 : vector<16xi32>
        %or3A_564 = arith.ori %shift_right_logical3A_562, %and3A_563 : vector<16xi32>
        %broadcast_in_dim3A_565 = arith.constant 21 : i32
        %broadcast_in_dim3A_566 = vector.broadcast %broadcast_in_dim3A_565 : i32 to vector<16xi32>
        tpu.vector_store_idx %arg5[%add3A_64, %broadcast_in_dim3A_566], %or3A_564 : memref<448x40xi32, #tpu.memory_space<vmem>>[vector<16xi32>, vector<16xi32>], vector<16xi32>,
        %mul3A_567 = arith.constant 16 : i32
        %mul3A_568 = arith.muli %scan3A_60, %mul3A_567 : i32
        %get3A_569 = arith.constant 44 : i32
        %get3A_570 = arith.index_cast %and3A_28 : i32 to index
        %get3A_571 = arith.index_cast %get3A_569 : i32 to index
        %get3A_572 = arith.index_cast %mul3A_568 : i32 to index
        %get3A_573 = tpu.vector_load %arg4[%get3A_570, %get3A_571, %get3A_572] {strides = array<i32>} : memref<2x64x448xf32, #tpu.memory_space<vmem>>, vector<16xf32>,
        %bitcast3A_574 = vector.bitcast %get3A_573 : vector<16xf32> to vector<16xi32>
        %mul3A_575 = arith.constant 16 : i32
        %mul3A_576 = arith.muli %scan3A_60, %mul3A_575 : i32
        %get3A_577 = arith.constant 45 : i32
        %get3A_578 = arith.index_cast %and3A_28 : i32 to index
        %get3A_579 = arith.index_cast %get3A_577 : i32 to index
        %get3A_580 = arith.index_cast %mul3A_576 : i32 to index
        %get3A_581 = tpu.vector_load %arg4[%get3A_578, %get3A_579, %get3A_580] {strides = array<i32>} : memref<2x64x448xf32, #tpu.memory_space<vmem>>, vector<16xf32>,
        %bitcast3A_582 = vector.bitcast %get3A_581 : vector<16xf32> to vector<16xi32>
        %shift_right_logical3A_583 = arith.constant 16 : i32
        %shift_right_logical3A_584 = vector.broadcast %shift_right_logical3A_583 : i32 to vector<16xi32>
        %shift_right_logical3A_585 = arith.shrui %bitcast3A_574, %shift_right_logical3A_584 : vector<16xi32>
        %and3A_586 = arith.andi %bitcast3A_582, %broadcast_in_dim3A_3 : vector<16xi32>
        %or3A_587 = arith.ori %shift_right_logical3A_585, %and3A_586 : vector<16xi32>
        %broadcast_in_dim3A_588 = arith.constant 22 : i32
        %broadcast_in_dim3A_589 = vector.broadcast %broadcast_in_dim3A_588 : i32 to vector<16xi32>
        tpu.vector_store_idx %arg5[%add3A_64, %broadcast_in_dim3A_589], %or3A_587 : memref<448x40xi32, #tpu.memory_space<vmem>>[vector<16xi32>, vector<16xi32>], vector<16xi32>,
        %mul3A_590 = arith.constant 16 : i32
        %mul3A_591 = arith.muli %scan3A_60, %mul3A_590 : i32
        %get3A_592 = arith.constant 46 : i32
        %get3A_593 = arith.index_cast %and3A_28 : i32 to index
        %get3A_594 = arith.index_cast %get3A_592 : i32 to index
        %get3A_595 = arith.index_cast %mul3A_591 : i32 to index
        %get3A_596 = tpu.vector_load %arg4[%get3A_593, %get3A_594, %get3A_595] {strides = array<i32>} : memref<2x64x448xf32, #tpu.memory_space<vmem>>, vector<16xf32>,
        %bitcast3A_597 = vector.bitcast %get3A_596 : vector<16xf32> to vector<16xi32>
        %mul3A_598 = arith.constant 16 : i32
        %mul3A_599 = arith.muli %scan3A_60, %mul3A_598 : i32
        %get3A_600 = arith.constant 47 : i32
        %get3A_601 = arith.index_cast %and3A_28 : i32 to index
        %get3A_602 = arith.index_cast %get3A_600 : i32 to index
        %get3A_603 = arith.index_cast %mul3A_599 : i32 to index
        %get3A_604 = tpu.vector_load %arg4[%get3A_601, %get3A_602, %get3A_603] {strides = array<i32>} : memref<2x64x448xf32, #tpu.memory_space<vmem>>, vector<16xf32>,
        %bitcast3A_605 = vector.bitcast %get3A_604 : vector<16xf32> to vector<16xi32>
        %shift_right_logical3A_606 = arith.constant 16 : i32
        %shift_right_logical3A_607 = vector.broadcast %shift_right_logical3A_606 : i32 to vector<16xi32>
        %shift_right_logical3A_608 = arith.shrui %bitcast3A_597, %shift_right_logical3A_607 : vector<16xi32>
        %and3A_609 = arith.andi %bitcast3A_605, %broadcast_in_dim3A_3 : vector<16xi32>
        %or3A_610 = arith.ori %shift_right_logical3A_608, %and3A_609 : vector<16xi32>
        %broadcast_in_dim3A_611 = arith.constant 23 : i32
        %broadcast_in_dim3A_612 = vector.broadcast %broadcast_in_dim3A_611 : i32 to vector<16xi32>
        tpu.vector_store_idx %arg5[%add3A_64, %broadcast_in_dim3A_612], %or3A_610 : memref<448x40xi32, #tpu.memory_space<vmem>>[vector<16xi32>, vector<16xi32>], vector<16xi32>,
        %mul3A_613 = arith.constant 16 : i32
        %mul3A_614 = arith.muli %scan3A_60, %mul3A_613 : i32
        %get3A_615 = arith.constant 48 : i32
        %get3A_616 = arith.index_cast %and3A_28 : i32 to index
        %get3A_617 = arith.index_cast %get3A_615 : i32 to index
        %get3A_618 = arith.index_cast %mul3A_614 : i32 to index
        %get3A_619 = tpu.vector_load %arg4[%get3A_616, %get3A_617, %get3A_618] {strides = array<i32>} : memref<2x64x448xf32, #tpu.memory_space<vmem>>, vector<16xf32>,
        %bitcast3A_620 = vector.bitcast %get3A_619 : vector<16xf32> to vector<16xi32>
        %mul3A_621 = arith.constant 16 : i32
        %mul3A_622 = arith.muli %scan3A_60, %mul3A_621 : i32
        %get3A_623 = arith.constant 49 : i32
        %get3A_624 = arith.index_cast %and3A_28 : i32 to index
        %get3A_625 = arith.index_cast %get3A_623 : i32 to index
        %get3A_626 = arith.index_cast %mul3A_622 : i32 to index
        %get3A_627 = tpu.vector_load %arg4[%get3A_624, %get3A_625, %get3A_626] {strides = array<i32>} : memref<2x64x448xf32, #tpu.memory_space<vmem>>, vector<16xf32>,
        %bitcast3A_628 = vector.bitcast %get3A_627 : vector<16xf32> to vector<16xi32>
        %shift_right_logical3A_629 = arith.constant 16 : i32
        %shift_right_logical3A_630 = vector.broadcast %shift_right_logical3A_629 : i32 to vector<16xi32>
        %shift_right_logical3A_631 = arith.shrui %bitcast3A_620, %shift_right_logical3A_630 : vector<16xi32>
        %and3A_632 = arith.andi %bitcast3A_628, %broadcast_in_dim3A_3 : vector<16xi32>
        %or3A_633 = arith.ori %shift_right_logical3A_631, %and3A_632 : vector<16xi32>
        %broadcast_in_dim3A_634 = arith.constant 24 : i32
        %broadcast_in_dim3A_635 = vector.broadcast %broadcast_in_dim3A_634 : i32 to vector<16xi32>
        tpu.vector_store_idx %arg5[%add3A_64, %broadcast_in_dim3A_635], %or3A_633 : memref<448x40xi32, #tpu.memory_space<vmem>>[vector<16xi32>, vector<16xi32>], vector<16xi32>,
        %mul3A_636 = arith.constant 16 : i32
        %mul3A_637 = arith.muli %scan3A_60, %mul3A_636 : i32
        %get3A_638 = arith.constant 50 : i32
        %get3A_639 = arith.index_cast %and3A_28 : i32 to index
        %get3A_640 = arith.index_cast %get3A_638 : i32 to index
        %get3A_641 = arith.index_cast %mul3A_637 : i32 to index
        %get3A_642 = tpu.vector_load %arg4[%get3A_639, %get3A_640, %get3A_641] {strides = array<i32>} : memref<2x64x448xf32, #tpu.memory_space<vmem>>, vector<16xf32>,
        %bitcast3A_643 = vector.bitcast %get3A_642 : vector<16xf32> to vector<16xi32>
        %mul3A_644 = arith.constant 16 : i32
        %mul3A_645 = arith.muli %scan3A_60, %mul3A_644 : i32
        %get3A_646 = arith.constant 51 : i32
        %get3A_647 = arith.index_cast %and3A_28 : i32 to index
        %get3A_648 = arith.index_cast %get3A_646 : i32 to index
        %get3A_649 = arith.index_cast %mul3A_645 : i32 to index
        %get3A_650 = tpu.vector_load %arg4[%get3A_647, %get3A_648, %get3A_649] {strides = array<i32>} : memref<2x64x448xf32, #tpu.memory_space<vmem>>, vector<16xf32>,
        %bitcast3A_651 = vector.bitcast %get3A_650 : vector<16xf32> to vector<16xi32>
        %shift_right_logical3A_652 = arith.constant 16 : i32
        %shift_right_logical3A_653 = vector.broadcast %shift_right_logical3A_652 : i32 to vector<16xi32>
        %shift_right_logical3A_654 = arith.shrui %bitcast3A_643, %shift_right_logical3A_653 : vector<16xi32>
        %and3A_655 = arith.andi %bitcast3A_651, %broadcast_in_dim3A_3 : vector<16xi32>
        %or3A_656 = arith.ori %shift_right_logical3A_654, %and3A_655 : vector<16xi32>
        %broadcast_in_dim3A_657 = arith.constant 25 : i32
        %broadcast_in_dim3A_658 = vector.broadcast %broadcast_in_dim3A_657 : i32 to vector<16xi32>
        tpu.vector_store_idx %arg5[%add3A_64, %broadcast_in_dim3A_658], %or3A_656 : memref<448x40xi32, #tpu.memory_space<vmem>>[vector<16xi32>, vector<16xi32>], vector<16xi32>,
        %mul3A_659 = arith.constant 16 : i32
        %mul3A_660 = arith.muli %scan3A_60, %mul3A_659 : i32
        %get3A_661 = arith.constant 52 : i32
        %get3A_662 = arith.index_cast %and3A_28 : i32 to index
        %get3A_663 = arith.index_cast %get3A_661 : i32 to index
        %get3A_664 = arith.index_cast %mul3A_660 : i32 to index
        %get3A_665 = tpu.vector_load %arg4[%get3A_662, %get3A_663, %get3A_664] {strides = array<i32>} : memref<2x64x448xf32, #tpu.memory_space<vmem>>, vector<16xf32>,
        %bitcast3A_666 = vector.bitcast %get3A_665 : vector<16xf32> to vector<16xi32>
        %mul3A_667 = arith.constant 16 : i32
        %mul3A_668 = arith.muli %scan3A_60, %mul3A_667 : i32
        %get3A_669 = arith.constant 53 : i32
        %get3A_670 = arith.index_cast %and3A_28 : i32 to index
        %get3A_671 = arith.index_cast %get3A_669 : i32 to index
        %get3A_672 = arith.index_cast %mul3A_668 : i32 to index
        %get3A_673 = tpu.vector_load %arg4[%get3A_670, %get3A_671, %get3A_672] {strides = array<i32>} : memref<2x64x448xf32, #tpu.memory_space<vmem>>, vector<16xf32>,
        %bitcast3A_674 = vector.bitcast %get3A_673 : vector<16xf32> to vector<16xi32>
        %shift_right_logical3A_675 = arith.constant 16 : i32
        %shift_right_logical3A_676 = vector.broadcast %shift_right_logical3A_675 : i32 to vector<16xi32>
        %shift_right_logical3A_677 = arith.shrui %bitcast3A_666, %shift_right_logical3A_676 : vector<16xi32>
        %and3A_678 = arith.andi %bitcast3A_674, %broadcast_in_dim3A_3 : vector<16xi32>
        %or3A_679 = arith.ori %shift_right_logical3A_677, %and3A_678 : vector<16xi32>
        %broadcast_in_dim3A_680 = arith.constant 26 : i32
        %broadcast_in_dim3A_681 = vector.broadcast %broadcast_in_dim3A_680 : i32 to vector<16xi32>
        tpu.vector_store_idx %arg5[%add3A_64, %broadcast_in_dim3A_681], %or3A_679 : memref<448x40xi32, #tpu.memory_space<vmem>>[vector<16xi32>, vector<16xi32>], vector<16xi32>,
        %mul3A_682 = arith.constant 16 : i32
        %mul3A_683 = arith.muli %scan3A_60, %mul3A_682 : i32
        %get3A_684 = arith.constant 54 : i32
        %get3A_685 = arith.index_cast %and3A_28 : i32 to index
        %get3A_686 = arith.index_cast %get3A_684 : i32 to index
        %get3A_687 = arith.index_cast %mul3A_683 : i32 to index
        %get3A_688 = tpu.vector_load %arg4[%get3A_685, %get3A_686, %get3A_687] {strides = array<i32>} : memref<2x64x448xf32, #tpu.memory_space<vmem>>, vector<16xf32>,
        %bitcast3A_689 = vector.bitcast %get3A_688 : vector<16xf32> to vector<16xi32>
        %mul3A_690 = arith.constant 16 : i32
        %mul3A_691 = arith.muli %scan3A_60, %mul3A_690 : i32
        %get3A_692 = arith.constant 55 : i32
        %get3A_693 = arith.index_cast %and3A_28 : i32 to index
        %get3A_694 = arith.index_cast %get3A_692 : i32 to index
        %get3A_695 = arith.index_cast %mul3A_691 : i32 to index
        %get3A_696 = tpu.vector_load %arg4[%get3A_693, %get3A_694, %get3A_695] {strides = array<i32>} : memref<2x64x448xf32, #tpu.memory_space<vmem>>, vector<16xf32>,
        %bitcast3A_697 = vector.bitcast %get3A_696 : vector<16xf32> to vector<16xi32>
        %shift_right_logical3A_698 = arith.constant 16 : i32
        %shift_right_logical3A_699 = vector.broadcast %shift_right_logical3A_698 : i32 to vector<16xi32>
        %shift_right_logical3A_700 = arith.shrui %bitcast3A_689, %shift_right_logical3A_699 : vector<16xi32>
        %and3A_701 = arith.andi %bitcast3A_697, %broadcast_in_dim3A_3 : vector<16xi32>
        %or3A_702 = arith.ori %shift_right_logical3A_700, %and3A_701 : vector<16xi32>
        %broadcast_in_dim3A_703 = arith.constant 27 : i32
        %broadcast_in_dim3A_704 = vector.broadcast %broadcast_in_dim3A_703 : i32 to vector<16xi32>
        tpu.vector_store_idx %arg5[%add3A_64, %broadcast_in_dim3A_704], %or3A_702 : memref<448x40xi32, #tpu.memory_space<vmem>>[vector<16xi32>, vector<16xi32>], vector<16xi32>,
        %mul3A_705 = arith.constant 16 : i32
        %mul3A_706 = arith.muli %scan3A_60, %mul3A_705 : i32
        %get3A_707 = arith.constant 56 : i32
        %get3A_708 = arith.index_cast %and3A_28 : i32 to index
        %get3A_709 = arith.index_cast %get3A_707 : i32 to index
        %get3A_710 = arith.index_cast %mul3A_706 : i32 to index
        %get3A_711 = tpu.vector_load %arg4[%get3A_708, %get3A_709, %get3A_710] {strides = array<i32>} : memref<2x64x448xf32, #tpu.memory_space<vmem>>, vector<16xf32>,
        %bitcast3A_712 = vector.bitcast %get3A_711 : vector<16xf32> to vector<16xi32>
        %mul3A_713 = arith.constant 16 : i32
        %mul3A_714 = arith.muli %scan3A_60, %mul3A_713 : i32
        %get3A_715 = arith.constant 57 : i32
        %get3A_716 = arith.index_cast %and3A_28 : i32 to index
        %get3A_717 = arith.index_cast %get3A_715 : i32 to index
        %get3A_718 = arith.index_cast %mul3A_714 : i32 to index
        %get3A_719 = tpu.vector_load %arg4[%get3A_716, %get3A_717, %get3A_718] {strides = array<i32>} : memref<2x64x448xf32, #tpu.memory_space<vmem>>, vector<16xf32>,
        %bitcast3A_720 = vector.bitcast %get3A_719 : vector<16xf32> to vector<16xi32>
        %shift_right_logical3A_721 = arith.constant 16 : i32
        %shift_right_logical3A_722 = vector.broadcast %shift_right_logical3A_721 : i32 to vector<16xi32>
        %shift_right_logical3A_723 = arith.shrui %bitcast3A_712, %shift_right_logical3A_722 : vector<16xi32>
        %and3A_724 = arith.andi %bitcast3A_720, %broadcast_in_dim3A_3 : vector<16xi32>
        %or3A_725 = arith.ori %shift_right_logical3A_723, %and3A_724 : vector<16xi32>
        %broadcast_in_dim3A_726 = arith.constant 28 : i32
        %broadcast_in_dim3A_727 = vector.broadcast %broadcast_in_dim3A_726 : i32 to vector<16xi32>
        tpu.vector_store_idx %arg5[%add3A_64, %broadcast_in_dim3A_727], %or3A_725 : memref<448x40xi32, #tpu.memory_space<vmem>>[vector<16xi32>, vector<16xi32>], vector<16xi32>,
        %mul3A_728 = arith.constant 16 : i32
        %mul3A_729 = arith.muli %scan3A_60, %mul3A_728 : i32
        %get3A_730 = arith.constant 58 : i32
        %get3A_731 = arith.index_cast %and3A_28 : i32 to index
        %get3A_732 = arith.index_cast %get3A_730 : i32 to index
        %get3A_733 = arith.index_cast %mul3A_729 : i32 to index
        %get3A_734 = tpu.vector_load %arg4[%get3A_731, %get3A_732, %get3A_733] {strides = array<i32>} : memref<2x64x448xf32, #tpu.memory_space<vmem>>, vector<16xf32>,
        %bitcast3A_735 = vector.bitcast %get3A_734 : vector<16xf32> to vector<16xi32>
        %mul3A_736 = arith.constant 16 : i32
        %mul3A_737 = arith.muli %scan3A_60, %mul3A_736 : i32
        %get3A_738 = arith.constant 59 : i32
        %get3A_739 = arith.index_cast %and3A_28 : i32 to index
        %get3A_740 = arith.index_cast %get3A_738 : i32 to index
        %get3A_741 = arith.index_cast %mul3A_737 : i32 to index
        %get3A_742 = tpu.vector_load %arg4[%get3A_739, %get3A_740, %get3A_741] {strides = array<i32>} : memref<2x64x448xf32, #tpu.memory_space<vmem>>, vector<16xf32>,
        %bitcast3A_743 = vector.bitcast %get3A_742 : vector<16xf32> to vector<16xi32>
        %shift_right_logical3A_744 = arith.constant 16 : i32
        %shift_right_logical3A_745 = vector.broadcast %shift_right_logical3A_744 : i32 to vector<16xi32>
        %shift_right_logical3A_746 = arith.shrui %bitcast3A_735, %shift_right_logical3A_745 : vector<16xi32>
        %and3A_747 = arith.andi %bitcast3A_743, %broadcast_in_dim3A_3 : vector<16xi32>
        %or3A_748 = arith.ori %shift_right_logical3A_746, %and3A_747 : vector<16xi32>
        %broadcast_in_dim3A_749 = arith.constant 29 : i32
        %broadcast_in_dim3A_750 = vector.broadcast %broadcast_in_dim3A_749 : i32 to vector<16xi32>
        tpu.vector_store_idx %arg5[%add3A_64, %broadcast_in_dim3A_750], %or3A_748 : memref<448x40xi32, #tpu.memory_space<vmem>>[vector<16xi32>, vector<16xi32>], vector<16xi32>,
        %mul3A_751 = arith.constant 16 : i32
        %mul3A_752 = arith.muli %scan3A_60, %mul3A_751 : i32
        %get3A_753 = arith.constant 60 : i32
        %get3A_754 = arith.index_cast %and3A_28 : i32 to index
        %get3A_755 = arith.index_cast %get3A_753 : i32 to index
        %get3A_756 = arith.index_cast %mul3A_752 : i32 to index
        %get3A_757 = tpu.vector_load %arg4[%get3A_754, %get3A_755, %get3A_756] {strides = array<i32>} : memref<2x64x448xf32, #tpu.memory_space<vmem>>, vector<16xf32>,
        %bitcast3A_758 = vector.bitcast %get3A_757 : vector<16xf32> to vector<16xi32>
        %mul3A_759 = arith.constant 16 : i32
        %mul3A_760 = arith.muli %scan3A_60, %mul3A_759 : i32
        %get3A_761 = arith.constant 61 : i32
        %get3A_762 = arith.index_cast %and3A_28 : i32 to index
        %get3A_763 = arith.index_cast %get3A_761 : i32 to index
        %get3A_764 = arith.index_cast %mul3A_760 : i32 to index
        %get3A_765 = tpu.vector_load %arg4[%get3A_762, %get3A_763, %get3A_764] {strides = array<i32>} : memref<2x64x448xf32, #tpu.memory_space<vmem>>, vector<16xf32>,
        %bitcast3A_766 = vector.bitcast %get3A_765 : vector<16xf32> to vector<16xi32>
        %shift_right_logical3A_767 = arith.constant 16 : i32
        %shift_right_logical3A_768 = vector.broadcast %shift_right_logical3A_767 : i32 to vector<16xi32>
        %shift_right_logical3A_769 = arith.shrui %bitcast3A_758, %shift_right_logical3A_768 : vector<16xi32>
        %and3A_770 = arith.andi %bitcast3A_766, %broadcast_in_dim3A_3 : vector<16xi32>
        %or3A_771 = arith.ori %shift_right_logical3A_769, %and3A_770 : vector<16xi32>
        %broadcast_in_dim3A_772 = arith.constant 30 : i32
        %broadcast_in_dim3A_773 = vector.broadcast %broadcast_in_dim3A_772 : i32 to vector<16xi32>
        tpu.vector_store_idx %arg5[%add3A_64, %broadcast_in_dim3A_773], %or3A_771 : memref<448x40xi32, #tpu.memory_space<vmem>>[vector<16xi32>, vector<16xi32>], vector<16xi32>,
        %mul3A_774 = arith.constant 16 : i32
        %mul3A_775 = arith.muli %scan3A_60, %mul3A_774 : i32
        %get3A_776 = arith.constant 62 : i32
        %get3A_777 = arith.index_cast %and3A_28 : i32 to index
        %get3A_778 = arith.index_cast %get3A_776 : i32 to index
        %get3A_779 = arith.index_cast %mul3A_775 : i32 to index
        %get3A_780 = tpu.vector_load %arg4[%get3A_777, %get3A_778, %get3A_779] {strides = array<i32>} : memref<2x64x448xf32, #tpu.memory_space<vmem>>, vector<16xf32>,
        %bitcast3A_781 = vector.bitcast %get3A_780 : vector<16xf32> to vector<16xi32>
        %mul3A_782 = arith.constant 16 : i32
        %mul3A_783 = arith.muli %scan3A_60, %mul3A_782 : i32
        %get3A_784 = arith.constant 63 : i32
        %get3A_785 = arith.index_cast %and3A_28 : i32 to index
        %get3A_786 = arith.index_cast %get3A_784 : i32 to index
        %get3A_787 = arith.index_cast %mul3A_783 : i32 to index
        %get3A_788 = tpu.vector_load %arg4[%get3A_785, %get3A_786, %get3A_787] {strides = array<i32>} : memref<2x64x448xf32, #tpu.memory_space<vmem>>, vector<16xf32>,
        %bitcast3A_789 = vector.bitcast %get3A_788 : vector<16xf32> to vector<16xi32>
        %shift_right_logical3A_790 = arith.constant 16 : i32
        %shift_right_logical3A_791 = vector.broadcast %shift_right_logical3A_790 : i32 to vector<16xi32>
        %shift_right_logical3A_792 = arith.shrui %bitcast3A_781, %shift_right_logical3A_791 : vector<16xi32>
        %and3A_793 = arith.andi %bitcast3A_789, %broadcast_in_dim3A_3 : vector<16xi32>
        %or3A_794 = arith.ori %shift_right_logical3A_792, %and3A_793 : vector<16xi32>
        %broadcast_in_dim3A_795 = arith.constant 31 : i32
        %broadcast_in_dim3A_796 = vector.broadcast %broadcast_in_dim3A_795 : i32 to vector<16xi32>
        tpu.vector_store_idx %arg5[%add3A_64, %broadcast_in_dim3A_796], %or3A_794 : memref<448x40xi32, #tpu.memory_space<vmem>>[vector<16xi32>, vector<16xi32>], vector<16xi32>,
      }
      %scan3A_54 = arith.constant 28 : i32
      %mul3A_55 = arith.constant 448 : i32
      %mul3A_56 = arith.muli %scan3A_27, %mul3A_55 : i32
      %add3A_57 = arith.addi %mul3A_2, %mul3A_56 : i32
      %min3A_58 = arith.constant 99648 : i32
      %min3A_59 = arith.minsi %add3A_57, %min3A_58 : i32
      "tpu.region"() ({
        %run_scoped3A = tpu.sem_alloc : memref<!tpu.dma_semaphore, #tpu.memory_space<semaphore_mem>>
        %dma_start3A_60 = arith.constant 0 : i32
        %dma_start3A_61 = arith.constant 0 : i32
        %dma_start3A_62 = tpu.memref_slice %arg5[%dma_start3A_60, %dma_start3A_61] : memref<448x40xi32, #tpu.memory_space<vmem>> -> memref<448x32xi32, #tpu.memory_space<vmem>>
        %dma_start3A_63 = arith.constant 0 : i32
        %dma_start3A_64 = tpu.memref_slice %arg3[%min3A_59, %dma_start3A_63] : memref<100352x32xi32, #tpu.memory_space<hbm>> -> memref<448x32xi32, #tpu.memory_space<hbm>>
        %dma_start3A_65 = arith.constant 0 : i32
        %dma_start3A_66 = tpu.memref_slice %arg3[%min3A_59, %dma_start3A_65] : memref<100352x32xi32, #tpu.memory_space<hbm>> -> memref<448x32xi32, #tpu.memory_space<hbm>>
        %dma_start3A_67 = arith.constant 0 : i32
        %dma_start3A_68 = arith.constant 0 : i32
        %dma_start3A_69 = tpu.memref_slice %arg5[%dma_start3A_67, %dma_start3A_68] : memref<448x40xi32, #tpu.memory_space<vmem>> -> memref<448x32xi32, #tpu.memory_space<vmem>>
        tpu.enqueue_dma source(%dma_start3A_69 : memref<448x32xi32, #tpu.memory_space<vmem>>) target(%dma_start3A_66 : memref<448x32xi32, #tpu.memory_space<hbm>>) target_semaphore(%run_scoped3A : memref<!tpu.dma_semaphore, #tpu.memory_space<semaphore_mem>>)
        %dma_wait3A_70 = arith.constant 0 : i32
        %dma_wait3A_71 = arith.constant 0 : i32
        %dma_wait3A_72 = tpu.memref_slice %arg5[%dma_wait3A_70, %dma_wait3A_71] : memref<448x40xi32, #tpu.memory_space<vmem>> -> memref<448x32xi32, #tpu.memory_space<vmem>>
        %dma_wait3A_73 = arith.constant 0 : i32
        %dma_wait3A_74 = tpu.memref_slice %arg3[%min3A_59, %dma_wait3A_73] : memref<100352x32xi32, #tpu.memory_space<hbm>> -> memref<448x32xi32, #tpu.memory_space<hbm>>
        %dma_wait3A_75 = arith.constant 0 : i32
        %dma_wait3A_76 = tpu.memref_slice %arg3[%min3A_59, %dma_wait3A_75] : memref<100352x32xi32, #tpu.memory_space<hbm>> -> memref<448x32xi32, #tpu.memory_space<hbm>>
        %dma_wait3A_77 = arith.constant 0 : i32
        %dma_wait3A_78 = arith.constant 0 : i32
        %dma_wait3A_79 = tpu.memref_slice %arg5[%dma_wait3A_77, %dma_wait3A_78] : memref<448x40xi32, #tpu.memory_space<vmem>> -> memref<448x32xi32, #tpu.memory_space<vmem>>
        tpu.wait_dma2 semaphore(%run_scoped3A : memref<!tpu.dma_semaphore, #tpu.memory_space<semaphore_mem>>) src(%dma_wait3A_79 : memref<448x32xi32, #tpu.memory_space<vmem>>) dst(%dma_wait3A_76 : memref<448x32xi32, #tpu.memory_space<hbm>>)
        tpu.yield
      }) : () -> ()
    }
    %scan3A_26 = arith.constant 7 : i32
    return
  }
}

#map = affine_map<(d0, d1) -> (0, 0)>
module attributes {stable_mosaic.version = 14 : i64} {
  func.func @k(%arg0: i32, %arg1: i32, %arg2: memref<4096x200xi32, #tpu.memory_space<hbm>>, %arg3: memref<100352x32xi32, #tpu.memory_space<hbm>>, %arg4: memref<4096x64xf32, #tpu.memory_space<hbm>>, %arg5: memref<128x200xi32, #tpu.memory_space<vmem>>, %arg6: memref<8x200x32xi32, #tpu.memory_space<vmem>>, %arg7: memref<128x64xf32, #tpu.memory_space<vmem>>, %arg8: memref<8x!tpu.dma_semaphore, #tpu.memory_space<semaphore_mem>>) attributes {dimension_semantics = [#tpu.dimension_semantics<core_parallel>, #tpu.dimension_semantics<subcore_parallel>], iteration_bounds = array<i64: 2, 16>, scalar_prefetch = 0 : i64, scratch_operands = 4 : i64, tpu.core_type = #tpu.core_type<sc_vector_subcore>, window_params = [{transform_indices = #map}, {transform_indices = #map}, {transform_indices = #map}]} {
    %mul3A = arith.constant 2 : i32
    %mul3A_0 = arith.muli %arg1, %mul3A : i32
    %add3A = arith.addi %mul3A_0, %arg0 : i32
    %mul3A_1 = arith.constant 128 : i32
    %mul3A_2 = arith.muli %add3A, %mul3A_1 : i32
    "tpu.region"() ({
      %run_scoped3A = tpu.sem_alloc : memref<!tpu.dma_semaphore, #tpu.memory_space<semaphore_mem>>
      %dma_start3A_218 = arith.constant 0 : i32
      %dma_start3A_219 = tpu.memref_slice %arg2[%mul3A_2, %dma_start3A_218] : memref<4096x200xi32, #tpu.memory_space<hbm>> -> memref<128x200xi32, #tpu.memory_space<hbm>>
      %dma_start3A_220 = arith.constant 0 : i32
      %dma_start3A_221 = tpu.memref_slice %arg2[%mul3A_2, %dma_start3A_220] : memref<4096x200xi32, #tpu.memory_space<hbm>> -> memref<128x200xi32, #tpu.memory_space<hbm>>
      tpu.enqueue_dma source(%dma_start3A_221 : memref<128x200xi32, #tpu.memory_space<hbm>>) target(%arg5 : memref<128x200xi32, #tpu.memory_space<vmem>>) target_semaphore(%run_scoped3A : memref<!tpu.dma_semaphore, #tpu.memory_space<semaphore_mem>>)
      %dma_wait3A = arith.constant 0 : i32
      %dma_wait3A_222 = tpu.memref_slice %arg2[%mul3A_2, %dma_wait3A] : memref<4096x200xi32, #tpu.memory_space<hbm>> -> memref<128x200xi32, #tpu.memory_space<hbm>>
      %dma_wait3A_223 = arith.constant 0 : i32
      %dma_wait3A_224 = tpu.memref_slice %arg2[%mul3A_2, %dma_wait3A_223] : memref<4096x200xi32, #tpu.memory_space<hbm>> -> memref<128x200xi32, #tpu.memory_space<hbm>>
      tpu.wait_dma2 semaphore(%run_scoped3A : memref<!tpu.dma_semaphore, #tpu.memory_space<semaphore_mem>>) src(%dma_wait3A_224 : memref<128x200xi32, #tpu.memory_space<hbm>>) dst(%arg5 : memref<128x200xi32, #tpu.memory_space<vmem>>)
      tpu.yield
    }) : () -> ()
    %dma_start3A = arith.constant 0 : i32
    %dma_start3A_3 = arith.constant 0 : i32
    %dma_start3A_4 = arith.constant 0 : i32
    %dma_start3A_5 = arith.constant 0 : i32
    %dma_start3A_6 = arith.constant 0 : i32
    %dma_start3A_7 = tpu.memref_slice %arg6[%dma_start3A_3, %dma_start3A_5, %dma_start3A_6] : memref<8x200x32xi32, #tpu.memory_space<vmem>> -> memref<1x128x32xi32, #tpu.memory_space<vmem>>
    %dma_start3A_8 = tpu.memref_squeeze %dma_start3A_7 : memref<1x128x32xi32, #tpu.memory_space<vmem>> -> memref<128x32xi32, #tpu.memory_space<vmem>>
    %dma_start3A_9 = arith.constant 0 : i32
    %dma_start3A_10 = tpu.memref_slice %arg5[%dma_start3A, %dma_start3A_9] : memref<128x200xi32, #tpu.memory_space<vmem>> -> memref<1x128xi32, #tpu.memory_space<vmem>>
    %dma_start3A_11 = tpu.memref_squeeze %dma_start3A_10 : memref<1x128xi32, #tpu.memory_space<vmem>> -> memref<128xi32, #tpu.memory_space<vmem>>
    %dma_start3A_12 = arith.constant 0 : i32
    %dma_start3A_13 = arith.constant 0 : i32
    %dma_start3A_14 = tpu.memref_slice %arg3[%dma_start3A_12, %dma_start3A_13] : memref<100352x32xi32, #tpu.memory_space<hbm>> -> memref<100352x32xi32, #tpu.memory_space<hbm>>
    %dma_start3A_15 = tpu.memref_slice %arg8[%dma_start3A_4] : memref<8x!tpu.dma_semaphore, #tpu.memory_space<semaphore_mem>> -> memref<1x!tpu.dma_semaphore, #tpu.memory_space<semaphore_mem>>
    %dma_start3A_16 = tpu.memref_squeeze %dma_start3A_15 : memref<1x!tpu.dma_semaphore, #tpu.memory_space<semaphore_mem>> -> memref<!tpu.dma_semaphore, #tpu.memory_space<semaphore_mem>>
    tpu.enqueue_indirect_dma source(%dma_start3A_14 : memref<100352x32xi32, #tpu.memory_space<hbm>>) target(%dma_start3A_8 : memref<128x32xi32, #tpu.memory_space<vmem>>) offsets(%dma_start3A_11 : memref<128xi32, #tpu.memory_space<vmem>>) semaphore(%dma_start3A_16 : memref<!tpu.dma_semaphore, #tpu.memory_space<semaphore_mem>>)
    %dma_start3A_17 = arith.constant 0 : i32
    %dma_start3A_18 = arith.constant 0 : i32
    %dma_start3A_19 = arith.constant 0 : i32
    %dma_start3A_20 = arith.constant 128 : i32
    %dma_start3A_21 = arith.constant 0 : i32
    %dma_start3A_22 = tpu.memref_slice %arg6[%dma_start3A_18, %dma_start3A_20, %dma_start3A_21] : memref<8x200x32xi32, #tpu.memory_space<vmem>> -> memref<1x72x32xi32, #tpu.memory_space<vmem>>
    %dma_start3A_23 = tpu.memref_squeeze %dma_start3A_22 : memref<1x72x32xi32, #tpu.memory_space<vmem>> -> memref<72x32xi32, #tpu.memory_space<vmem>>
    %dma_start3A_24 = arith.constant 128 : i32
    %dma_start3A_25 = tpu.memref_slice %arg5[%dma_start3A_17, %dma_start3A_24] : memref<128x200xi32, #tpu.memory_space<vmem>> -> memref<1x72xi32, #tpu.memory_space<vmem>>
    %dma_start3A_26 = tpu.memref_squeeze %dma_start3A_25 : memref<1x72xi32, #tpu.memory_space<vmem>> -> memref<72xi32, #tpu.memory_space<vmem>>
    %dma_start3A_27 = arith.constant 0 : i32
    %dma_start3A_28 = arith.constant 0 : i32
    %dma_start3A_29 = tpu.memref_slice %arg3[%dma_start3A_27, %dma_start3A_28] : memref<100352x32xi32, #tpu.memory_space<hbm>> -> memref<100352x32xi32, #tpu.memory_space<hbm>>
    %dma_start3A_30 = tpu.memref_slice %arg8[%dma_start3A_19] : memref<8x!tpu.dma_semaphore, #tpu.memory_space<semaphore_mem>> -> memref<1x!tpu.dma_semaphore, #tpu.memory_space<semaphore_mem>>
    %dma_start3A_31 = tpu.memref_squeeze %dma_start3A_30 : memref<1x!tpu.dma_semaphore, #tpu.memory_space<semaphore_mem>> -> memref<!tpu.dma_semaphore, #tpu.memory_space<semaphore_mem>>
    tpu.enqueue_indirect_dma source(%dma_start3A_29 : memref<100352x32xi32, #tpu.memory_space<hbm>>) target(%dma_start3A_23 : memref<72x32xi32, #tpu.memory_space<vmem>>) offsets(%dma_start3A_26 : memref<72xi32, #tpu.memory_space<vmem>>) semaphore(%dma_start3A_31 : memref<!tpu.dma_semaphore, #tpu.memory_space<semaphore_mem>>)
    %dma_start3A_32 = arith.constant 1 : i32
    %dma_start3A_33 = arith.constant 1 : i32
    %dma_start3A_34 = arith.constant 1 : i32
    %dma_start3A_35 = arith.constant 0 : i32
    %dma_start3A_36 = arith.constant 0 : i32
    %dma_start3A_37 = tpu.memref_slice %arg6[%dma_start3A_33, %dma_start3A_35, %dma_start3A_36] : memref<8x200x32xi32, #tpu.memory_space<vmem>> -> memref<1x128x32xi32, #tpu.memory_space<vmem>>
    %dma_start3A_38 = tpu.memref_squeeze %dma_start3A_37 : memref<1x128x32xi32, #tpu.memory_space<vmem>> -> memref<128x32xi32, #tpu.memory_space<vmem>>
    %dma_start3A_39 = arith.constant 0 : i32
    %dma_start3A_40 = tpu.memref_slice %arg5[%dma_start3A_32, %dma_start3A_39] : memref<128x200xi32, #tpu.memory_space<vmem>> -> memref<1x128xi32, #tpu.memory_space<vmem>>
    %dma_start3A_41 = tpu.memref_squeeze %dma_start3A_40 : memref<1x128xi32, #tpu.memory_space<vmem>> -> memref<128xi32, #tpu.memory_space<vmem>>
    %dma_start3A_42 = arith.constant 0 : i32
    %dma_start3A_43 = arith.constant 0 : i32
    %dma_start3A_44 = tpu.memref_slice %arg3[%dma_start3A_42, %dma_start3A_43] : memref<100352x32xi32, #tpu.memory_space<hbm>> -> memref<100352x32xi32, #tpu.memory_space<hbm>>
    %dma_start3A_45 = tpu.memref_slice %arg8[%dma_start3A_34] : memref<8x!tpu.dma_semaphore, #tpu.memory_space<semaphore_mem>> -> memref<1x!tpu.dma_semaphore, #tpu.memory_space<semaphore_mem>>
    %dma_start3A_46 = tpu.memref_squeeze %dma_start3A_45 : memref<1x!tpu.dma_semaphore, #tpu.memory_space<semaphore_mem>> -> memref<!tpu.dma_semaphore, #tpu.memory_space<semaphore_mem>>
    tpu.enqueue_indirect_dma source(%dma_start3A_44 : memref<100352x32xi32, #tpu.memory_space<hbm>>) target(%dma_start3A_38 : memref<128x32xi32, #tpu.memory_space<vmem>>) offsets(%dma_start3A_41 : memref<128xi32, #tpu.memory_space<vmem>>) semaphore(%dma_start3A_46 : memref<!tpu.dma_semaphore, #tpu.memory_space<semaphore_mem>>)
    %dma_start3A_47 = arith.constant 1 : i32
    %dma_start3A_48 = arith.constant 1 : i32
    %dma_start3A_49 = arith.constant 1 : i32
    %dma_start3A_50 = arith.constant 128 : i32
    %dma_start3A_51 = arith.constant 0 : i32
    %dma_start3A_52 = tpu.memref_slice %arg6[%dma_start3A_48, %dma_start3A_50, %dma_start3A_51] : memref<8x200x32xi32, #tpu.memory_space<vmem>> -> memref<1x72x32xi32, #tpu.memory_space<vmem>>
    %dma_start3A_53 = tpu.memref_squeeze %dma_start3A_52 : memref<1x72x32xi32, #tpu.memory_space<vmem>> -> memref<72x32xi32, #tpu.memory_space<vmem>>
    %dma_start3A_54 = arith.constant 128 : i32
    %dma_start3A_55 = tpu.memref_slice %arg5[%dma_start3A_47, %dma_start3A_54] : memref<128x200xi32, #tpu.memory_space<vmem>> -> memref<1x72xi32, #tpu.memory_space<vmem>>
    %dma_start3A_56 = tpu.memref_squeeze %dma_start3A_55 : memref<1x72xi32, #tpu.memory_space<vmem>> -> memref<72xi32, #tpu.memory_space<vmem>>
    %dma_start3A_57 = arith.constant 0 : i32
    %dma_start3A_58 = arith.constant 0 : i32
    %dma_start3A_59 = tpu.memref_slice %arg3[%dma_start3A_57, %dma_start3A_58] : memref<100352x32xi32, #tpu.memory_space<hbm>> -> memref<100352x32xi32, #tpu.memory_space<hbm>>
    %dma_start3A_60 = tpu.memref_slice %arg8[%dma_start3A_49] : memref<8x!tpu.dma_semaphore, #tpu.memory_space<semaphore_mem>> -> memref<1x!tpu.dma_semaphore, #tpu.memory_space<semaphore_mem>>
    %dma_start3A_61 = tpu.memref_squeeze %dma_start3A_60 : memref<1x!tpu.dma_semaphore, #tpu.memory_space<semaphore_mem>> -> memref<!tpu.dma_semaphore, #tpu.memory_space<semaphore_mem>>
    tpu.enqueue_indirect_dma source(%dma_start3A_59 : memref<100352x32xi32, #tpu.memory_space<hbm>>) target(%dma_start3A_53 : memref<72x32xi32, #tpu.memory_space<vmem>>) offsets(%dma_start3A_56 : memref<72xi32, #tpu.memory_space<vmem>>) semaphore(%dma_start3A_61 : memref<!tpu.dma_semaphore, #tpu.memory_space<semaphore_mem>>)
    %dma_start3A_62 = arith.constant 2 : i32
    %dma_start3A_63 = arith.constant 2 : i32
    %dma_start3A_64 = arith.constant 2 : i32
    %dma_start3A_65 = arith.constant 0 : i32
    %dma_start3A_66 = arith.constant 0 : i32
    %dma_start3A_67 = tpu.memref_slice %arg6[%dma_start3A_63, %dma_start3A_65, %dma_start3A_66] : memref<8x200x32xi32, #tpu.memory_space<vmem>> -> memref<1x128x32xi32, #tpu.memory_space<vmem>>
    %dma_start3A_68 = tpu.memref_squeeze %dma_start3A_67 : memref<1x128x32xi32, #tpu.memory_space<vmem>> -> memref<128x32xi32, #tpu.memory_space<vmem>>
    %dma_start3A_69 = arith.constant 0 : i32
    %dma_start3A_70 = tpu.memref_slice %arg5[%dma_start3A_62, %dma_start3A_69] : memref<128x200xi32, #tpu.memory_space<vmem>> -> memref<1x128xi32, #tpu.memory_space<vmem>>
    %dma_start3A_71 = tpu.memref_squeeze %dma_start3A_70 : memref<1x128xi32, #tpu.memory_space<vmem>> -> memref<128xi32, #tpu.memory_space<vmem>>
    %dma_start3A_72 = arith.constant 0 : i32
    %dma_start3A_73 = arith.constant 0 : i32
    %dma_start3A_74 = tpu.memref_slice %arg3[%dma_start3A_72, %dma_start3A_73] : memref<100352x32xi32, #tpu.memory_space<hbm>> -> memref<100352x32xi32, #tpu.memory_space<hbm>>
    %dma_start3A_75 = tpu.memref_slice %arg8[%dma_start3A_64] : memref<8x!tpu.dma_semaphore, #tpu.memory_space<semaphore_mem>> -> memref<1x!tpu.dma_semaphore, #tpu.memory_space<semaphore_mem>>
    %dma_start3A_76 = tpu.memref_squeeze %dma_start3A_75 : memref<1x!tpu.dma_semaphore, #tpu.memory_space<semaphore_mem>> -> memref<!tpu.dma_semaphore, #tpu.memory_space<semaphore_mem>>
    tpu.enqueue_indirect_dma source(%dma_start3A_74 : memref<100352x32xi32, #tpu.memory_space<hbm>>) target(%dma_start3A_68 : memref<128x32xi32, #tpu.memory_space<vmem>>) offsets(%dma_start3A_71 : memref<128xi32, #tpu.memory_space<vmem>>) semaphore(%dma_start3A_76 : memref<!tpu.dma_semaphore, #tpu.memory_space<semaphore_mem>>)
    %dma_start3A_77 = arith.constant 2 : i32
    %dma_start3A_78 = arith.constant 2 : i32
    %dma_start3A_79 = arith.constant 2 : i32
    %dma_start3A_80 = arith.constant 128 : i32
    %dma_start3A_81 = arith.constant 0 : i32
    %dma_start3A_82 = tpu.memref_slice %arg6[%dma_start3A_78, %dma_start3A_80, %dma_start3A_81] : memref<8x200x32xi32, #tpu.memory_space<vmem>> -> memref<1x72x32xi32, #tpu.memory_space<vmem>>
    %dma_start3A_83 = tpu.memref_squeeze %dma_start3A_82 : memref<1x72x32xi32, #tpu.memory_space<vmem>> -> memref<72x32xi32, #tpu.memory_space<vmem>>
    %dma_start3A_84 = arith.constant 128 : i32
    %dma_start3A_85 = tpu.memref_slice %arg5[%dma_start3A_77, %dma_start3A_84] : memref<128x200xi32, #tpu.memory_space<vmem>> -> memref<1x72xi32, #tpu.memory_space<vmem>>
    %dma_start3A_86 = tpu.memref_squeeze %dma_start3A_85 : memref<1x72xi32, #tpu.memory_space<vmem>> -> memref<72xi32, #tpu.memory_space<vmem>>
    %dma_start3A_87 = arith.constant 0 : i32
    %dma_start3A_88 = arith.constant 0 : i32
    %dma_start3A_89 = tpu.memref_slice %arg3[%dma_start3A_87, %dma_start3A_88] : memref<100352x32xi32, #tpu.memory_space<hbm>> -> memref<100352x32xi32, #tpu.memory_space<hbm>>
    %dma_start3A_90 = tpu.memref_slice %arg8[%dma_start3A_79] : memref<8x!tpu.dma_semaphore, #tpu.memory_space<semaphore_mem>> -> memref<1x!tpu.dma_semaphore, #tpu.memory_space<semaphore_mem>>
    %dma_start3A_91 = tpu.memref_squeeze %dma_start3A_90 : memref<1x!tpu.dma_semaphore, #tpu.memory_space<semaphore_mem>> -> memref<!tpu.dma_semaphore, #tpu.memory_space<semaphore_mem>>
    tpu.enqueue_indirect_dma source(%dma_start3A_89 : memref<100352x32xi32, #tpu.memory_space<hbm>>) target(%dma_start3A_83 : memref<72x32xi32, #tpu.memory_space<vmem>>) offsets(%dma_start3A_86 : memref<72xi32, #tpu.memory_space<vmem>>) semaphore(%dma_start3A_91 : memref<!tpu.dma_semaphore, #tpu.memory_space<semaphore_mem>>)
    %dma_start3A_92 = arith.constant 3 : i32
    %dma_start3A_93 = arith.constant 3 : i32
    %dma_start3A_94 = arith.constant 3 : i32
    %dma_start3A_95 = arith.constant 0 : i32
    %dma_start3A_96 = arith.constant 0 : i32
    %dma_start3A_97 = tpu.memref_slice %arg6[%dma_start3A_93, %dma_start3A_95, %dma_start3A_96] : memref<8x200x32xi32, #tpu.memory_space<vmem>> -> memref<1x128x32xi32, #tpu.memory_space<vmem>>
    %dma_start3A_98 = tpu.memref_squeeze %dma_start3A_97 : memref<1x128x32xi32, #tpu.memory_space<vmem>> -> memref<128x32xi32, #tpu.memory_space<vmem>>
    %dma_start3A_99 = arith.constant 0 : i32
    %dma_start3A_100 = tpu.memref_slice %arg5[%dma_start3A_92, %dma_start3A_99] : memref<128x200xi32, #tpu.memory_space<vmem>> -> memref<1x128xi32, #tpu.memory_space<vmem>>
    %dma_start3A_101 = tpu.memref_squeeze %dma_start3A_100 : memref<1x128xi32, #tpu.memory_space<vmem>> -> memref<128xi32, #tpu.memory_space<vmem>>
    %dma_start3A_102 = arith.constant 0 : i32
    %dma_start3A_103 = arith.constant 0 : i32
    %dma_start3A_104 = tpu.memref_slice %arg3[%dma_start3A_102, %dma_start3A_103] : memref<100352x32xi32, #tpu.memory_space<hbm>> -> memref<100352x32xi32, #tpu.memory_space<hbm>>
    %dma_start3A_105 = tpu.memref_slice %arg8[%dma_start3A_94] : memref<8x!tpu.dma_semaphore, #tpu.memory_space<semaphore_mem>> -> memref<1x!tpu.dma_semaphore, #tpu.memory_space<semaphore_mem>>
    %dma_start3A_106 = tpu.memref_squeeze %dma_start3A_105 : memref<1x!tpu.dma_semaphore, #tpu.memory_space<semaphore_mem>> -> memref<!tpu.dma_semaphore, #tpu.memory_space<semaphore_mem>>
    tpu.enqueue_indirect_dma source(%dma_start3A_104 : memref<100352x32xi32, #tpu.memory_space<hbm>>) target(%dma_start3A_98 : memref<128x32xi32, #tpu.memory_space<vmem>>) offsets(%dma_start3A_101 : memref<128xi32, #tpu.memory_space<vmem>>) semaphore(%dma_start3A_106 : memref<!tpu.dma_semaphore, #tpu.memory_space<semaphore_mem>>)
    %dma_start3A_107 = arith.constant 3 : i32
    %dma_start3A_108 = arith.constant 3 : i32
    %dma_start3A_109 = arith.constant 3 : i32
    %dma_start3A_110 = arith.constant 128 : i32
    %dma_start3A_111 = arith.constant 0 : i32
    %dma_start3A_112 = tpu.memref_slice %arg6[%dma_start3A_108, %dma_start3A_110, %dma_start3A_111] : memref<8x200x32xi32, #tpu.memory_space<vmem>> -> memref<1x72x32xi32, #tpu.memory_space<vmem>>
    %dma_start3A_113 = tpu.memref_squeeze %dma_start3A_112 : memref<1x72x32xi32, #tpu.memory_space<vmem>> -> memref<72x32xi32, #tpu.memory_space<vmem>>
    %dma_start3A_114 = arith.constant 128 : i32
    %dma_start3A_115 = tpu.memref_slice %arg5[%dma_start3A_107, %dma_start3A_114] : memref<128x200xi32, #tpu.memory_space<vmem>> -> memref<1x72xi32, #tpu.memory_space<vmem>>
    %dma_start3A_116 = tpu.memref_squeeze %dma_start3A_115 : memref<1x72xi32, #tpu.memory_space<vmem>> -> memref<72xi32, #tpu.memory_space<vmem>>
    %dma_start3A_117 = arith.constant 0 : i32
    %dma_start3A_118 = arith.constant 0 : i32
    %dma_start3A_119 = tpu.memref_slice %arg3[%dma_start3A_117, %dma_start3A_118] : memref<100352x32xi32, #tpu.memory_space<hbm>> -> memref<100352x32xi32, #tpu.memory_space<hbm>>
    %dma_start3A_120 = tpu.memref_slice %arg8[%dma_start3A_109] : memref<8x!tpu.dma_semaphore, #tpu.memory_space<semaphore_mem>> -> memref<1x!tpu.dma_semaphore, #tpu.memory_space<semaphore_mem>>
    %dma_start3A_121 = tpu.memref_squeeze %dma_start3A_120 : memref<1x!tpu.dma_semaphore, #tpu.memory_space<semaphore_mem>> -> memref<!tpu.dma_semaphore, #tpu.memory_space<semaphore_mem>>
    tpu.enqueue_indirect_dma source(%dma_start3A_119 : memref<100352x32xi32, #tpu.memory_space<hbm>>) target(%dma_start3A_113 : memref<72x32xi32, #tpu.memory_space<vmem>>) offsets(%dma_start3A_116 : memref<72xi32, #tpu.memory_space<vmem>>) semaphore(%dma_start3A_121 : memref<!tpu.dma_semaphore, #tpu.memory_space<semaphore_mem>>)
    %dma_start3A_122 = arith.constant 4 : i32
    %dma_start3A_123 = arith.constant 4 : i32
    %dma_start3A_124 = arith.constant 4 : i32
    %dma_start3A_125 = arith.constant 0 : i32
    %dma_start3A_126 = arith.constant 0 : i32
    %dma_start3A_127 = tpu.memref_slice %arg6[%dma_start3A_123, %dma_start3A_125, %dma_start3A_126] : memref<8x200x32xi32, #tpu.memory_space<vmem>> -> memref<1x128x32xi32, #tpu.memory_space<vmem>>
    %dma_start3A_128 = tpu.memref_squeeze %dma_start3A_127 : memref<1x128x32xi32, #tpu.memory_space<vmem>> -> memref<128x32xi32, #tpu.memory_space<vmem>>
    %dma_start3A_129 = arith.constant 0 : i32
    %dma_start3A_130 = tpu.memref_slice %arg5[%dma_start3A_122, %dma_start3A_129] : memref<128x200xi32, #tpu.memory_space<vmem>> -> memref<1x128xi32, #tpu.memory_space<vmem>>
    %dma_start3A_131 = tpu.memref_squeeze %dma_start3A_130 : memref<1x128xi32, #tpu.memory_space<vmem>> -> memref<128xi32, #tpu.memory_space<vmem>>
    %dma_start3A_132 = arith.constant 0 : i32
    %dma_start3A_133 = arith.constant 0 : i32
    %dma_start3A_134 = tpu.memref_slice %arg3[%dma_start3A_132, %dma_start3A_133] : memref<100352x32xi32, #tpu.memory_space<hbm>> -> memref<100352x32xi32, #tpu.memory_space<hbm>>
    %dma_start3A_135 = tpu.memref_slice %arg8[%dma_start3A_124] : memref<8x!tpu.dma_semaphore, #tpu.memory_space<semaphore_mem>> -> memref<1x!tpu.dma_semaphore, #tpu.memory_space<semaphore_mem>>
    %dma_start3A_136 = tpu.memref_squeeze %dma_start3A_135 : memref<1x!tpu.dma_semaphore, #tpu.memory_space<semaphore_mem>> -> memref<!tpu.dma_semaphore, #tpu.memory_space<semaphore_mem>>
    tpu.enqueue_indirect_dma source(%dma_start3A_134 : memref<100352x32xi32, #tpu.memory_space<hbm>>) target(%dma_start3A_128 : memref<128x32xi32, #tpu.memory_space<vmem>>) offsets(%dma_start3A_131 : memref<128xi32, #tpu.memory_space<vmem>>) semaphore(%dma_start3A_136 : memref<!tpu.dma_semaphore, #tpu.memory_space<semaphore_mem>>)
    %dma_start3A_137 = arith.constant 4 : i32
    %dma_start3A_138 = arith.constant 4 : i32
    %dma_start3A_139 = arith.constant 4 : i32
    %dma_start3A_140 = arith.constant 128 : i32
    %dma_start3A_141 = arith.constant 0 : i32
    %dma_start3A_142 = tpu.memref_slice %arg6[%dma_start3A_138, %dma_start3A_140, %dma_start3A_141] : memref<8x200x32xi32, #tpu.memory_space<vmem>> -> memref<1x72x32xi32, #tpu.memory_space<vmem>>
    %dma_start3A_143 = tpu.memref_squeeze %dma_start3A_142 : memref<1x72x32xi32, #tpu.memory_space<vmem>> -> memref<72x32xi32, #tpu.memory_space<vmem>>
    %dma_start3A_144 = arith.constant 128 : i32
    %dma_start3A_145 = tpu.memref_slice %arg5[%dma_start3A_137, %dma_start3A_144] : memref<128x200xi32, #tpu.memory_space<vmem>> -> memref<1x72xi32, #tpu.memory_space<vmem>>
    %dma_start3A_146 = tpu.memref_squeeze %dma_start3A_145 : memref<1x72xi32, #tpu.memory_space<vmem>> -> memref<72xi32, #tpu.memory_space<vmem>>
    %dma_start3A_147 = arith.constant 0 : i32
    %dma_start3A_148 = arith.constant 0 : i32
    %dma_start3A_149 = tpu.memref_slice %arg3[%dma_start3A_147, %dma_start3A_148] : memref<100352x32xi32, #tpu.memory_space<hbm>> -> memref<100352x32xi32, #tpu.memory_space<hbm>>
    %dma_start3A_150 = tpu.memref_slice %arg8[%dma_start3A_139] : memref<8x!tpu.dma_semaphore, #tpu.memory_space<semaphore_mem>> -> memref<1x!tpu.dma_semaphore, #tpu.memory_space<semaphore_mem>>
    %dma_start3A_151 = tpu.memref_squeeze %dma_start3A_150 : memref<1x!tpu.dma_semaphore, #tpu.memory_space<semaphore_mem>> -> memref<!tpu.dma_semaphore, #tpu.memory_space<semaphore_mem>>
    tpu.enqueue_indirect_dma source(%dma_start3A_149 : memref<100352x32xi32, #tpu.memory_space<hbm>>) target(%dma_start3A_143 : memref<72x32xi32, #tpu.memory_space<vmem>>) offsets(%dma_start3A_146 : memref<72xi32, #tpu.memory_space<vmem>>) semaphore(%dma_start3A_151 : memref<!tpu.dma_semaphore, #tpu.memory_space<semaphore_mem>>)
    %dma_start3A_152 = arith.constant 5 : i32
    %dma_start3A_153 = arith.constant 5 : i32
    %dma_start3A_154 = arith.constant 5 : i32
    %dma_start3A_155 = arith.constant 0 : i32
    %dma_start3A_156 = arith.constant 0 : i32
    %dma_start3A_157 = tpu.memref_slice %arg6[%dma_start3A_153, %dma_start3A_155, %dma_start3A_156] : memref<8x200x32xi32, #tpu.memory_space<vmem>> -> memref<1x128x32xi32, #tpu.memory_space<vmem>>
    %dma_start3A_158 = tpu.memref_squeeze %dma_start3A_157 : memref<1x128x32xi32, #tpu.memory_space<vmem>> -> memref<128x32xi32, #tpu.memory_space<vmem>>
    %dma_start3A_159 = arith.constant 0 : i32
    %dma_start3A_160 = tpu.memref_slice %arg5[%dma_start3A_152, %dma_start3A_159] : memref<128x200xi32, #tpu.memory_space<vmem>> -> memref<1x128xi32, #tpu.memory_space<vmem>>
    %dma_start3A_161 = tpu.memref_squeeze %dma_start3A_160 : memref<1x128xi32, #tpu.memory_space<vmem>> -> memref<128xi32, #tpu.memory_space<vmem>>
    %dma_start3A_162 = arith.constant 0 : i32
    %dma_start3A_163 = arith.constant 0 : i32
    %dma_start3A_164 = tpu.memref_slice %arg3[%dma_start3A_162, %dma_start3A_163] : memref<100352x32xi32, #tpu.memory_space<hbm>> -> memref<100352x32xi32, #tpu.memory_space<hbm>>
    %dma_start3A_165 = tpu.memref_slice %arg8[%dma_start3A_154] : memref<8x!tpu.dma_semaphore, #tpu.memory_space<semaphore_mem>> -> memref<1x!tpu.dma_semaphore, #tpu.memory_space<semaphore_mem>>
    %dma_start3A_166 = tpu.memref_squeeze %dma_start3A_165 : memref<1x!tpu.dma_semaphore, #tpu.memory_space<semaphore_mem>> -> memref<!tpu.dma_semaphore, #tpu.memory_space<semaphore_mem>>
    tpu.enqueue_indirect_dma source(%dma_start3A_164 : memref<100352x32xi32, #tpu.memory_space<hbm>>) target(%dma_start3A_158 : memref<128x32xi32, #tpu.memory_space<vmem>>) offsets(%dma_start3A_161 : memref<128xi32, #tpu.memory_space<vmem>>) semaphore(%dma_start3A_166 : memref<!tpu.dma_semaphore, #tpu.memory_space<semaphore_mem>>)
    %dma_start3A_167 = arith.constant 5 : i32
    %dma_start3A_168 = arith.constant 5 : i32
    %dma_start3A_169 = arith.constant 5 : i32
    %dma_start3A_170 = arith.constant 128 : i32
    %dma_start3A_171 = arith.constant 0 : i32
    %dma_start3A_172 = tpu.memref_slice %arg6[%dma_start3A_168, %dma_start3A_170, %dma_start3A_171] : memref<8x200x32xi32, #tpu.memory_space<vmem>> -> memref<1x72x32xi32, #tpu.memory_space<vmem>>
    %dma_start3A_173 = tpu.memref_squeeze %dma_start3A_172 : memref<1x72x32xi32, #tpu.memory_space<vmem>> -> memref<72x32xi32, #tpu.memory_space<vmem>>
    %dma_start3A_174 = arith.constant 128 : i32
    %dma_start3A_175 = tpu.memref_slice %arg5[%dma_start3A_167, %dma_start3A_174] : memref<128x200xi32, #tpu.memory_space<vmem>> -> memref<1x72xi32, #tpu.memory_space<vmem>>
    %dma_start3A_176 = tpu.memref_squeeze %dma_start3A_175 : memref<1x72xi32, #tpu.memory_space<vmem>> -> memref<72xi32, #tpu.memory_space<vmem>>
    %dma_start3A_177 = arith.constant 0 : i32
    %dma_start3A_178 = arith.constant 0 : i32
    %dma_start3A_179 = tpu.memref_slice %arg3[%dma_start3A_177, %dma_start3A_178] : memref<100352x32xi32, #tpu.memory_space<hbm>> -> memref<100352x32xi32, #tpu.memory_space<hbm>>
    %dma_start3A_180 = tpu.memref_slice %arg8[%dma_start3A_169] : memref<8x!tpu.dma_semaphore, #tpu.memory_space<semaphore_mem>> -> memref<1x!tpu.dma_semaphore, #tpu.memory_space<semaphore_mem>>
    %dma_start3A_181 = tpu.memref_squeeze %dma_start3A_180 : memref<1x!tpu.dma_semaphore, #tpu.memory_space<semaphore_mem>> -> memref<!tpu.dma_semaphore, #tpu.memory_space<semaphore_mem>>
    tpu.enqueue_indirect_dma source(%dma_start3A_179 : memref<100352x32xi32, #tpu.memory_space<hbm>>) target(%dma_start3A_173 : memref<72x32xi32, #tpu.memory_space<vmem>>) offsets(%dma_start3A_176 : memref<72xi32, #tpu.memory_space<vmem>>) semaphore(%dma_start3A_181 : memref<!tpu.dma_semaphore, #tpu.memory_space<semaphore_mem>>)
    %dma_start3A_182 = arith.constant 6 : i32
    %dma_start3A_183 = arith.constant 6 : i32
    %dma_start3A_184 = arith.constant 6 : i32
    %dma_start3A_185 = arith.constant 0 : i32
    %dma_start3A_186 = arith.constant 0 : i32
    %dma_start3A_187 = tpu.memref_slice %arg6[%dma_start3A_183, %dma_start3A_185, %dma_start3A_186] : memref<8x200x32xi32, #tpu.memory_space<vmem>> -> memref<1x128x32xi32, #tpu.memory_space<vmem>>
    %dma_start3A_188 = tpu.memref_squeeze %dma_start3A_187 : memref<1x128x32xi32, #tpu.memory_space<vmem>> -> memref<128x32xi32, #tpu.memory_space<vmem>>
    %dma_start3A_189 = arith.constant 0 : i32
    %dma_start3A_190 = tpu.memref_slice %arg5[%dma_start3A_182, %dma_start3A_189] : memref<128x200xi32, #tpu.memory_space<vmem>> -> memref<1x128xi32, #tpu.memory_space<vmem>>
    %dma_start3A_191 = tpu.memref_squeeze %dma_start3A_190 : memref<1x128xi32, #tpu.memory_space<vmem>> -> memref<128xi32, #tpu.memory_space<vmem>>
    %dma_start3A_192 = arith.constant 0 : i32
    %dma_start3A_193 = arith.constant 0 : i32
    %dma_start3A_194 = tpu.memref_slice %arg3[%dma_start3A_192, %dma_start3A_193] : memref<100352x32xi32, #tpu.memory_space<hbm>> -> memref<100352x32xi32, #tpu.memory_space<hbm>>
    %dma_start3A_195 = tpu.memref_slice %arg8[%dma_start3A_184] : memref<8x!tpu.dma_semaphore, #tpu.memory_space<semaphore_mem>> -> memref<1x!tpu.dma_semaphore, #tpu.memory_space<semaphore_mem>>
    %dma_start3A_196 = tpu.memref_squeeze %dma_start3A_195 : memref<1x!tpu.dma_semaphore, #tpu.memory_space<semaphore_mem>> -> memref<!tpu.dma_semaphore, #tpu.memory_space<semaphore_mem>>
    tpu.enqueue_indirect_dma source(%dma_start3A_194 : memref<100352x32xi32, #tpu.memory_space<hbm>>) target(%dma_start3A_188 : memref<128x32xi32, #tpu.memory_space<vmem>>) offsets(%dma_start3A_191 : memref<128xi32, #tpu.memory_space<vmem>>) semaphore(%dma_start3A_196 : memref<!tpu.dma_semaphore, #tpu.memory_space<semaphore_mem>>)
    %dma_start3A_197 = arith.constant 6 : i32
    %dma_start3A_198 = arith.constant 6 : i32
    %dma_start3A_199 = arith.constant 6 : i32
    %dma_start3A_200 = arith.constant 128 : i32
    %dma_start3A_201 = arith.constant 0 : i32
    %dma_start3A_202 = tpu.memref_slice %arg6[%dma_start3A_198, %dma_start3A_200, %dma_start3A_201] : memref<8x200x32xi32, #tpu.memory_space<vmem>> -> memref<1x72x32xi32, #tpu.memory_space<vmem>>
    %dma_start3A_203 = tpu.memref_squeeze %dma_start3A_202 : memref<1x72x32xi32, #tpu.memory_space<vmem>> -> memref<72x32xi32, #tpu.memory_space<vmem>>
    %dma_start3A_204 = arith.constant 128 : i32
    %dma_start3A_205 = tpu.memref_slice %arg5[%dma_start3A_197, %dma_start3A_204] : memref<128x200xi32, #tpu.memory_space<vmem>> -> memref<1x72xi32, #tpu.memory_space<vmem>>
    %dma_start3A_206 = tpu.memref_squeeze %dma_start3A_205 : memref<1x72xi32, #tpu.memory_space<vmem>> -> memref<72xi32, #tpu.memory_space<vmem>>
    %dma_start3A_207 = arith.constant 0 : i32
    %dma_start3A_208 = arith.constant 0 : i32
    %dma_start3A_209 = tpu.memref_slice %arg3[%dma_start3A_207, %dma_start3A_208] : memref<100352x32xi32, #tpu.memory_space<hbm>> -> memref<100352x32xi32, #tpu.memory_space<hbm>>
    %dma_start3A_210 = tpu.memref_slice %arg8[%dma_start3A_199] : memref<8x!tpu.dma_semaphore, #tpu.memory_space<semaphore_mem>> -> memref<1x!tpu.dma_semaphore, #tpu.memory_space<semaphore_mem>>
    %dma_start3A_211 = tpu.memref_squeeze %dma_start3A_210 : memref<1x!tpu.dma_semaphore, #tpu.memory_space<semaphore_mem>> -> memref<!tpu.dma_semaphore, #tpu.memory_space<semaphore_mem>>
    tpu.enqueue_indirect_dma source(%dma_start3A_209 : memref<100352x32xi32, #tpu.memory_space<hbm>>) target(%dma_start3A_203 : memref<72x32xi32, #tpu.memory_space<vmem>>) offsets(%dma_start3A_206 : memref<72xi32, #tpu.memory_space<vmem>>) semaphore(%dma_start3A_211 : memref<!tpu.dma_semaphore, #tpu.memory_space<semaphore_mem>>)
    %broadcast_in_dim3A = arith.constant -65536 : i32
    %broadcast_in_dim3A_212 = vector.broadcast %broadcast_in_dim3A : i32 to vector<16xi32>
    %scan3A = arith.constant 0 : i32
    %scan3A_213 = arith.constant 0 : i32
    %scan3A_214 = arith.constant 128 : i32
    %scan3A_215 = arith.addi %scan3A_213, %scan3A_214 : i32
    %scan3A_216 = arith.constant 1 : i32
    scf.for %scan3A_218 = %scan3A_213 to %scan3A_215 step %scan3A_216  : i32 {
      %and3A = arith.constant 7 : i32
      %and3A_219 = arith.andi %scan3A_218, %and3A : i32
      %lt3A = arith.constant 121 : i32
      %lt3A_220 = arith.cmpi slt, %scan3A_218, %lt3A : i32
      %convert_element_type3A = arith.extui %lt3A_220 : i1 to i32
      %cond3A = arith.constant 0 : i32
      %cond3A_221 = arith.cmpi ne, %convert_element_type3A, %cond3A : i32
      scf.if %cond3A_221 {
        %add3A_270 = arith.constant 7 : i32
        %add3A_271 = arith.addi %scan3A_218, %add3A_270 : i32
        %add3A_272 = arith.constant 7 : i32
        %add3A_273 = arith.addi %scan3A_218, %add3A_272 : i32
        %and3A_274 = arith.constant 7 : i32
        %and3A_275 = arith.andi %add3A_273, %and3A_274 : i32
        %dma_start3A_276 = arith.constant 0 : i32
        %dma_start3A_277 = arith.constant 0 : i32
        %dma_start3A_278 = tpu.memref_slice %arg6[%and3A_275, %dma_start3A_276, %dma_start3A_277] : memref<8x200x32xi32, #tpu.memory_space<vmem>> -> memref<1x128x32xi32, #tpu.memory_space<vmem>>
        %dma_start3A_279 = tpu.memref_squeeze %dma_start3A_278 : memref<1x128x32xi32, #tpu.memory_space<vmem>> -> memref<128x32xi32, #tpu.memory_space<vmem>>
        %dma_start3A_280 = arith.constant 0 : i32
        %dma_start3A_281 = tpu.memref_slice %arg5[%add3A_271, %dma_start3A_280] : memref<128x200xi32, #tpu.memory_space<vmem>> -> memref<1x128xi32, #tpu.memory_space<vmem>>
        %dma_start3A_282 = tpu.memref_squeeze %dma_start3A_281 : memref<1x128xi32, #tpu.memory_space<vmem>> -> memref<128xi32, #tpu.memory_space<vmem>>
        %dma_start3A_283 = arith.constant 0 : i32
        %dma_start3A_284 = arith.constant 0 : i32
        %dma_start3A_285 = tpu.memref_slice %arg3[%dma_start3A_283, %dma_start3A_284] : memref<100352x32xi32, #tpu.memory_space<hbm>> -> memref<100352x32xi32, #tpu.memory_space<hbm>>
        %dma_start3A_286 = tpu.memref_slice %arg8[%and3A_275] : memref<8x!tpu.dma_semaphore, #tpu.memory_space<semaphore_mem>> -> memref<1x!tpu.dma_semaphore, #tpu.memory_space<semaphore_mem>>
        %dma_start3A_287 = tpu.memref_squeeze %dma_start3A_286 : memref<1x!tpu.dma_semaphore, #tpu.memory_space<semaphore_mem>> -> memref<!tpu.dma_semaphore, #tpu.memory_space<semaphore_mem>>
        tpu.enqueue_indirect_dma source(%dma_start3A_285 : memref<100352x32xi32, #tpu.memory_space<hbm>>) target(%dma_start3A_279 : memref<128x32xi32, #tpu.memory_space<vmem>>) offsets(%dma_start3A_282 : memref<128xi32, #tpu.memory_space<vmem>>) semaphore(%dma_start3A_287 : memref<!tpu.dma_semaphore, #tpu.memory_space<semaphore_mem>>)
        %dma_start3A_288 = arith.constant 128 : i32
        %dma_start3A_289 = arith.constant 0 : i32
        %dma_start3A_290 = tpu.memref_slice %arg6[%and3A_275, %dma_start3A_288, %dma_start3A_289] : memref<8x200x32xi32, #tpu.memory_space<vmem>> -> memref<1x72x32xi32, #tpu.memory_space<vmem>>
        %dma_start3A_291 = tpu.memref_squeeze %dma_start3A_290 : memref<1x72x32xi32, #tpu.memory_space<vmem>> -> memref<72x32xi32, #tpu.memory_space<vmem>>
        %dma_start3A_292 = arith.constant 128 : i32
        %dma_start3A_293 = tpu.memref_slice %arg5[%add3A_271, %dma_start3A_292] : memref<128x200xi32, #tpu.memory_space<vmem>> -> memref<1x72xi32, #tpu.memory_space<vmem>>
        %dma_start3A_294 = tpu.memref_squeeze %dma_start3A_293 : memref<1x72xi32, #tpu.memory_space<vmem>> -> memref<72xi32, #tpu.memory_space<vmem>>
        %dma_start3A_295 = arith.constant 0 : i32
        %dma_start3A_296 = arith.constant 0 : i32
        %dma_start3A_297 = tpu.memref_slice %arg3[%dma_start3A_295, %dma_start3A_296] : memref<100352x32xi32, #tpu.memory_space<hbm>> -> memref<100352x32xi32, #tpu.memory_space<hbm>>
        %dma_start3A_298 = tpu.memref_slice %arg8[%and3A_275] : memref<8x!tpu.dma_semaphore, #tpu.memory_space<semaphore_mem>> -> memref<1x!tpu.dma_semaphore, #tpu.memory_space<semaphore_mem>>
        %dma_start3A_299 = tpu.memref_squeeze %dma_start3A_298 : memref<1x!tpu.dma_semaphore, #tpu.memory_space<semaphore_mem>> -> memref<!tpu.dma_semaphore, #tpu.memory_space<semaphore_mem>>
        tpu.enqueue_indirect_dma source(%dma_start3A_297 : memref<100352x32xi32, #tpu.memory_space<hbm>>) target(%dma_start3A_291 : memref<72x32xi32, #tpu.memory_space<vmem>>) offsets(%dma_start3A_294 : memref<72xi32, #tpu.memory_space<vmem>>) semaphore(%dma_start3A_299 : memref<!tpu.dma_semaphore, #tpu.memory_space<semaphore_mem>>)
      } else {
      }
      %dma_wait3A = arith.constant 0 : i32
      %dma_wait3A_222 = arith.constant 0 : i32
      %dma_wait3A_223 = tpu.memref_slice %arg6[%and3A_219, %dma_wait3A, %dma_wait3A_222] : memref<8x200x32xi32, #tpu.memory_space<vmem>> -> memref<1x128x32xi32, #tpu.memory_space<vmem>>
      %dma_wait3A_224 = tpu.memref_squeeze %dma_wait3A_223 : memref<1x128x32xi32, #tpu.memory_space<vmem>> -> memref<128x32xi32, #tpu.memory_space<vmem>>
      %dma_wait3A_225 = arith.constant 0 : i32
      %dma_wait3A_226 = tpu.memref_slice %arg5[%scan3A_218, %dma_wait3A_225] : memref<128x200xi32, #tpu.memory_space<vmem>> -> memref<1x128xi32, #tpu.memory_space<vmem>>
      %dma_wait3A_227 = tpu.memref_squeeze %dma_wait3A_226 : memref<1x128xi32, #tpu.memory_space<vmem>> -> memref<128xi32, #tpu.memory_space<vmem>>
      %dma_wait3A_228 = arith.constant 0 : i32
      %dma_wait3A_229 = arith.constant 0 : i32
      %dma_wait3A_230 = tpu.memref_slice %arg3[%dma_wait3A_228, %dma_wait3A_229] : memref<100352x32xi32, #tpu.memory_space<hbm>> -> memref<100352x32xi32, #tpu.memory_space<hbm>>
      %dma_wait3A_231 = tpu.memref_slice %arg8[%and3A_219] : memref<8x!tpu.dma_semaphore, #tpu.memory_space<semaphore_mem>> -> memref<1x!tpu.dma_semaphore, #tpu.memory_space<semaphore_mem>>
      %dma_wait3A_232 = tpu.memref_squeeze %dma_wait3A_231 : memref<1x!tpu.dma_semaphore, #tpu.memory_space<semaphore_mem>> -> memref<!tpu.dma_semaphore, #tpu.memory_space<semaphore_mem>>
      tpu.wait_indirect_dma semaphore(%dma_wait3A_232 : memref<!tpu.dma_semaphore, #tpu.memory_space<semaphore_mem>>) src(%dma_wait3A_230 : memref<100352x32xi32, #tpu.memory_space<hbm>>) dst(%dma_wait3A_224 : memref<128x32xi32, #tpu.memory_space<vmem>>)
      %dma_wait3A_233 = arith.constant 128 : i32
      %dma_wait3A_234 = arith.constant 0 : i32
      %dma_wait3A_235 = tpu.memref_slice %arg6[%and3A_219, %dma_wait3A_233, %dma_wait3A_234] : memref<8x200x32xi32, #tpu.memory_space<vmem>> -> memref<1x72x32xi32, #tpu.memory_space<vmem>>
      %dma_wait3A_236 = tpu.memref_squeeze %dma_wait3A_235 : memref<1x72x32xi32, #tpu.memory_space<vmem>> -> memref<72x32xi32, #tpu.memory_space<vmem>>
      %dma_wait3A_237 = arith.constant 128 : i32
      %dma_wait3A_238 = tpu.memref_slice %arg5[%scan3A_218, %dma_wait3A_237] : memref<128x200xi32, #tpu.memory_space<vmem>> -> memref<1x72xi32, #tpu.memory_space<vmem>>
      %dma_wait3A_239 = tpu.memref_squeeze %dma_wait3A_238 : memref<1x72xi32, #tpu.memory_space<vmem>> -> memref<72xi32, #tpu.memory_space<vmem>>
      %dma_wait3A_240 = arith.constant 0 : i32
      %dma_wait3A_241 = arith.constant 0 : i32
      %dma_wait3A_242 = tpu.memref_slice %arg3[%dma_wait3A_240, %dma_wait3A_241] : memref<100352x32xi32, #tpu.memory_space<hbm>> -> memref<100352x32xi32, #tpu.memory_space<hbm>>
      %dma_wait3A_243 = tpu.memref_slice %arg8[%and3A_219] : memref<8x!tpu.dma_semaphore, #tpu.memory_space<semaphore_mem>> -> memref<1x!tpu.dma_semaphore, #tpu.memory_space<semaphore_mem>>
      %dma_wait3A_244 = tpu.memref_squeeze %dma_wait3A_243 : memref<1x!tpu.dma_semaphore, #tpu.memory_space<semaphore_mem>> -> memref<!tpu.dma_semaphore, #tpu.memory_space<semaphore_mem>>
      tpu.wait_indirect_dma semaphore(%dma_wait3A_244 : memref<!tpu.dma_semaphore, #tpu.memory_space<semaphore_mem>>) src(%dma_wait3A_242 : memref<100352x32xi32, #tpu.memory_space<hbm>>) dst(%dma_wait3A_236 : memref<72x32xi32, #tpu.memory_space<vmem>>)
      %broadcast_in_dim3A_245 = arith.constant 0.000000e+00 : f32
      %broadcast_in_dim3A_246 = vector.broadcast %broadcast_in_dim3A_245 : f32 to vector<16xf32>
      %broadcast_in_dim3A_247 = arith.constant 0.000000e+00 : f32
      %broadcast_in_dim3A_248 = vector.broadcast %broadcast_in_dim3A_247 : f32 to vector<16xf32>
      %broadcast_in_dim3A_249 = arith.constant 0.000000e+00 : f32
      %broadcast_in_dim3A_250 = vector.broadcast %broadcast_in_dim3A_249 : f32 to vector<16xf32>
      %broadcast_in_dim3A_251 = arith.constant 0.000000e+00 : f32
      %broadcast_in_dim3A_252 = vector.broadcast %broadcast_in_dim3A_251 : f32 to vector<16xf32>
      %scan3A_253 = arith.constant 0 : i32
      %scan3A_254 = arith.constant 50 : i32
      %scan3A_255 = arith.addi %scan3A_253, %scan3A_254 : i32
      %scan3A_256 = arith.constant 1 : i32
      %scan3A_257:4 = scf.for %scan3A_270 = %scan3A_253 to %scan3A_255 step %scan3A_256 iter_args(%scan3A_271 = %broadcast_in_dim3A_246, %scan3A_272 = %broadcast_in_dim3A_248, %scan3A_273 = %broadcast_in_dim3A_250, %scan3A_274 = %broadcast_in_dim3A_252) -> (vector<16xf32>, vector<16xf32>, vector<16xf32>, vector<16xf32>)  : i32 {
        %mul3A_275 = arith.constant 4 : i32
        %mul3A_276 = arith.muli %scan3A_270, %mul3A_275 : i32
        %add3A_277 = arith.constant 0 : i32
        %add3A_278 = arith.addi %mul3A_276, %add3A_277 : i32
        %get3A = arith.index_cast %and3A_219 : i32 to index
        %get3A_279 = arith.index_cast %add3A_278 : i32 to index
        %get3A_280 = arith.constant 0 : index
        %get3A_281 = tpu.vector_load %arg6[%get3A, %get3A_279, %get3A_280] {strides = array<i32>} : memref<8x200x32xi32, #tpu.memory_space<vmem>>, vector<16xi32>,
        %shift_left3A = arith.constant 16 : i32
        %shift_left3A_282 = vector.broadcast %shift_left3A : i32 to vector<16xi32>
        %shift_left3A_283 = arith.shli %get3A_281, %shift_left3A_282 : vector<16xi32>
        %bitcast3A = vector.bitcast %shift_left3A_283 : vector<16xi32> to vector<16xf32>
        %and3A_284 = arith.andi %get3A_281, %broadcast_in_dim3A_212 : vector<16xi32>
        %bitcast3A_285 = vector.bitcast %and3A_284 : vector<16xi32> to vector<16xf32>
        %add3A_286 = arith.addf %scan3A_271, %bitcast3A : vector<16xf32>
        %add3A_287 = arith.addf %scan3A_272, %bitcast3A_285 : vector<16xf32>
        %mul3A_288 = arith.constant 4 : i32
        %mul3A_289 = arith.muli %scan3A_270, %mul3A_288 : i32
        %add3A_290 = arith.constant 0 : i32
        %add3A_291 = arith.addi %mul3A_289, %add3A_290 : i32
        %get3A_292 = arith.index_cast %and3A_219 : i32 to index
        %get3A_293 = arith.index_cast %add3A_291 : i32 to index
        %get3A_294 = arith.constant 16 : index
        %get3A_295 = tpu.vector_load %arg6[%get3A_292, %get3A_293, %get3A_294] {strides = array<i32>} : memref<8x200x32xi32, #tpu.memory_space<vmem>>, vector<16xi32>,
        %shift_left3A_296 = arith.constant 16 : i32
        %shift_left3A_297 = vector.broadcast %shift_left3A_296 : i32 to vector<16xi32>
        %shift_left3A_298 = arith.shli %get3A_295, %shift_left3A_297 : vector<16xi32>
        %bitcast3A_299 = vector.bitcast %shift_left3A_298 : vector<16xi32> to vector<16xf32>
        %and3A_300 = arith.andi %get3A_295, %broadcast_in_dim3A_212 : vector<16xi32>
        %bitcast3A_301 = vector.bitcast %and3A_300 : vector<16xi32> to vector<16xf32>
        %add3A_302 = arith.addf %scan3A_273, %bitcast3A_299 : vector<16xf32>
        %add3A_303 = arith.addf %scan3A_274, %bitcast3A_301 : vector<16xf32>
        %mul3A_304 = arith.constant 4 : i32
        %mul3A_305 = arith.muli %scan3A_270, %mul3A_304 : i32
        %add3A_306 = arith.constant 1 : i32
        %add3A_307 = arith.addi %mul3A_305, %add3A_306 : i32
        %get3A_308 = arith.index_cast %and3A_219 : i32 to index
        %get3A_309 = arith.index_cast %add3A_307 : i32 to index
        %get3A_310 = arith.constant 0 : index
        %get3A_311 = tpu.vector_load %arg6[%get3A_308, %get3A_309, %get3A_310] {strides = array<i32>} : memref<8x200x32xi32, #tpu.memory_space<vmem>>, vector<16xi32>,
        %shift_left3A_312 = arith.constant 16 : i32
        %shift_left3A_313 = vector.broadcast %shift_left3A_312 : i32 to vector<16xi32>
        %shift_left3A_314 = arith.shli %get3A_311, %shift_left3A_313 : vector<16xi32>
        %bitcast3A_315 = vector.bitcast %shift_left3A_314 : vector<16xi32> to vector<16xf32>
        %and3A_316 = arith.andi %get3A_311, %broadcast_in_dim3A_212 : vector<16xi32>
        %bitcast3A_317 = vector.bitcast %and3A_316 : vector<16xi32> to vector<16xf32>
        %add3A_318 = arith.addf %add3A_286, %bitcast3A_315 : vector<16xf32>
        %add3A_319 = arith.addf %add3A_287, %bitcast3A_317 : vector<16xf32>
        %mul3A_320 = arith.constant 4 : i32
        %mul3A_321 = arith.muli %scan3A_270, %mul3A_320 : i32
        %add3A_322 = arith.constant 1 : i32
        %add3A_323 = arith.addi %mul3A_321, %add3A_322 : i32
        %get3A_324 = arith.index_cast %and3A_219 : i32 to index
        %get3A_325 = arith.index_cast %add3A_323 : i32 to index
        %get3A_326 = arith.constant 16 : index
        %get3A_327 = tpu.vector_load %arg6[%get3A_324, %get3A_325, %get3A_326] {strides = array<i32>} : memref<8x200x32xi32, #tpu.memory_space<vmem>>, vector<16xi32>,
        %shift_left3A_328 = arith.constant 16 : i32
        %shift_left3A_329 = vector.broadcast %shift_left3A_328 : i32 to vector<16xi32>
        %shift_left3A_330 = arith.shli %get3A_327, %shift_left3A_329 : vector<16xi32>
        %bitcast3A_331 = vector.bitcast %shift_left3A_330 : vector<16xi32> to vector<16xf32>
        %and3A_332 = arith.andi %get3A_327, %broadcast_in_dim3A_212 : vector<16xi32>
        %bitcast3A_333 = vector.bitcast %and3A_332 : vector<16xi32> to vector<16xf32>
        %add3A_334 = arith.addf %add3A_302, %bitcast3A_331 : vector<16xf32>
        %add3A_335 = arith.addf %add3A_303, %bitcast3A_333 : vector<16xf32>
        %mul3A_336 = arith.constant 4 : i32
        %mul3A_337 = arith.muli %scan3A_270, %mul3A_336 : i32
        %add3A_338 = arith.constant 2 : i32
        %add3A_339 = arith.addi %mul3A_337, %add3A_338 : i32
        %get3A_340 = arith.index_cast %and3A_219 : i32 to index
        %get3A_341 = arith.index_cast %add3A_339 : i32 to index
        %get3A_342 = arith.constant 0 : index
        %get3A_343 = tpu.vector_load %arg6[%get3A_340, %get3A_341, %get3A_342] {strides = array<i32>} : memref<8x200x32xi32, #tpu.memory_space<vmem>>, vector<16xi32>,
        %shift_left3A_344 = arith.constant 16 : i32
        %shift_left3A_345 = vector.broadcast %shift_left3A_344 : i32 to vector<16xi32>
        %shift_left3A_346 = arith.shli %get3A_343, %shift_left3A_345 : vector<16xi32>
        %bitcast3A_347 = vector.bitcast %shift_left3A_346 : vector<16xi32> to vector<16xf32>
        %and3A_348 = arith.andi %get3A_343, %broadcast_in_dim3A_212 : vector<16xi32>
        %bitcast3A_349 = vector.bitcast %and3A_348 : vector<16xi32> to vector<16xf32>
        %add3A_350 = arith.addf %add3A_318, %bitcast3A_347 : vector<16xf32>
        %add3A_351 = arith.addf %add3A_319, %bitcast3A_349 : vector<16xf32>
        %mul3A_352 = arith.constant 4 : i32
        %mul3A_353 = arith.muli %scan3A_270, %mul3A_352 : i32
        %add3A_354 = arith.constant 2 : i32
        %add3A_355 = arith.addi %mul3A_353, %add3A_354 : i32
        %get3A_356 = arith.index_cast %and3A_219 : i32 to index
        %get3A_357 = arith.index_cast %add3A_355 : i32 to index
        %get3A_358 = arith.constant 16 : index
        %get3A_359 = tpu.vector_load %arg6[%get3A_356, %get3A_357, %get3A_358] {strides = array<i32>} : memref<8x200x32xi32, #tpu.memory_space<vmem>>, vector<16xi32>,
        %shift_left3A_360 = arith.constant 16 : i32
        %shift_left3A_361 = vector.broadcast %shift_left3A_360 : i32 to vector<16xi32>
        %shift_left3A_362 = arith.shli %get3A_359, %shift_left3A_361 : vector<16xi32>
        %bitcast3A_363 = vector.bitcast %shift_left3A_362 : vector<16xi32> to vector<16xf32>
        %and3A_364 = arith.andi %get3A_359, %broadcast_in_dim3A_212 : vector<16xi32>
        %bitcast3A_365 = vector.bitcast %and3A_364 : vector<16xi32> to vector<16xf32>
        %add3A_366 = arith.addf %add3A_334, %bitcast3A_363 : vector<16xf32>
        %add3A_367 = arith.addf %add3A_335, %bitcast3A_365 : vector<16xf32>
        %mul3A_368 = arith.constant 4 : i32
        %mul3A_369 = arith.muli %scan3A_270, %mul3A_368 : i32
        %add3A_370 = arith.constant 3 : i32
        %add3A_371 = arith.addi %mul3A_369, %add3A_370 : i32
        %get3A_372 = arith.index_cast %and3A_219 : i32 to index
        %get3A_373 = arith.index_cast %add3A_371 : i32 to index
        %get3A_374 = arith.constant 0 : index
        %get3A_375 = tpu.vector_load %arg6[%get3A_372, %get3A_373, %get3A_374] {strides = array<i32>} : memref<8x200x32xi32, #tpu.memory_space<vmem>>, vector<16xi32>,
        %shift_left3A_376 = arith.constant 16 : i32
        %shift_left3A_377 = vector.broadcast %shift_left3A_376 : i32 to vector<16xi32>
        %shift_left3A_378 = arith.shli %get3A_375, %shift_left3A_377 : vector<16xi32>
        %bitcast3A_379 = vector.bitcast %shift_left3A_378 : vector<16xi32> to vector<16xf32>
        %and3A_380 = arith.andi %get3A_375, %broadcast_in_dim3A_212 : vector<16xi32>
        %bitcast3A_381 = vector.bitcast %and3A_380 : vector<16xi32> to vector<16xf32>
        %add3A_382 = arith.addf %add3A_350, %bitcast3A_379 : vector<16xf32>
        %add3A_383 = arith.addf %add3A_351, %bitcast3A_381 : vector<16xf32>
        %mul3A_384 = arith.constant 4 : i32
        %mul3A_385 = arith.muli %scan3A_270, %mul3A_384 : i32
        %add3A_386 = arith.constant 3 : i32
        %add3A_387 = arith.addi %mul3A_385, %add3A_386 : i32
        %get3A_388 = arith.index_cast %and3A_219 : i32 to index
        %get3A_389 = arith.index_cast %add3A_387 : i32 to index
        %get3A_390 = arith.constant 16 : index
        %get3A_391 = tpu.vector_load %arg6[%get3A_388, %get3A_389, %get3A_390] {strides = array<i32>} : memref<8x200x32xi32, #tpu.memory_space<vmem>>, vector<16xi32>,
        %shift_left3A_392 = arith.constant 16 : i32
        %shift_left3A_393 = vector.broadcast %shift_left3A_392 : i32 to vector<16xi32>
        %shift_left3A_394 = arith.shli %get3A_391, %shift_left3A_393 : vector<16xi32>
        %bitcast3A_395 = vector.bitcast %shift_left3A_394 : vector<16xi32> to vector<16xf32>
        %and3A_396 = arith.andi %get3A_391, %broadcast_in_dim3A_212 : vector<16xi32>
        %bitcast3A_397 = vector.bitcast %and3A_396 : vector<16xi32> to vector<16xf32>
        %add3A_398 = arith.addf %add3A_366, %bitcast3A_395 : vector<16xf32>
        %add3A_399 = arith.addf %add3A_367, %bitcast3A_397 : vector<16xf32>
        scf.yield %add3A_382, %add3A_383, %add3A_398, %add3A_399 : vector<16xf32>, vector<16xf32>, vector<16xf32>, vector<16xf32>
      }
      %scan3A_258 = arith.constant 50 : i32
      %swap3A = arith.index_cast %scan3A_218 : i32 to index
      %swap3A_259 = arith.constant 0 : index
      %swap3A_260 = tpu.vector_load %arg7[%swap3A, %swap3A_259] {strides = array<i32>} : memref<128x64xf32, #tpu.memory_space<vmem>>, vector<16xf32>,
      tpu.vector_store %arg7[%swap3A, %swap3A_259], %scan3A_257#0 {strides = array<i32>} : memref<128x64xf32, #tpu.memory_space<vmem>>, vector<16xf32>,
      %swap3A_261 = arith.index_cast %scan3A_218 : i32 to index
      %swap3A_262 = arith.constant 16 : index
      %swap3A_263 = tpu.vector_load %arg7[%swap3A_261, %swap3A_262] {strides = array<i32>} : memref<128x64xf32, #tpu.memory_space<vmem>>, vector<16xf32>,
      tpu.vector_store %arg7[%swap3A_261, %swap3A_262], %scan3A_257#1 {strides = array<i32>} : memref<128x64xf32, #tpu.memory_space<vmem>>, vector<16xf32>,
      %swap3A_264 = arith.index_cast %scan3A_218 : i32 to index
      %swap3A_265 = arith.constant 32 : index
      %swap3A_266 = tpu.vector_load %arg7[%swap3A_264, %swap3A_265] {strides = array<i32>} : memref<128x64xf32, #tpu.memory_space<vmem>>, vector<16xf32>,
      tpu.vector_store %arg7[%swap3A_264, %swap3A_265], %scan3A_257#2 {strides = array<i32>} : memref<128x64xf32, #tpu.memory_space<vmem>>, vector<16xf32>,
      %swap3A_267 = arith.index_cast %scan3A_218 : i32 to index
      %swap3A_268 = arith.constant 48 : index
      %swap3A_269 = tpu.vector_load %arg7[%swap3A_267, %swap3A_268] {strides = array<i32>} : memref<128x64xf32, #tpu.memory_space<vmem>>, vector<16xf32>,
      tpu.vector_store %arg7[%swap3A_267, %swap3A_268], %scan3A_257#3 {strides = array<i32>} : memref<128x64xf32, #tpu.memory_space<vmem>>, vector<16xf32>,
    }
    %scan3A_217 = arith.constant 128 : i32
    "tpu.region"() ({
      %run_scoped3A = tpu.sem_alloc : memref<!tpu.dma_semaphore, #tpu.memory_space<semaphore_mem>>
      %dma_start3A_218 = arith.constant 0 : i32
      %dma_start3A_219 = tpu.memref_slice %arg4[%mul3A_2, %dma_start3A_218] : memref<4096x64xf32, #tpu.memory_space<hbm>> -> memref<128x64xf32, #tpu.memory_space<hbm>>
      %dma_start3A_220 = arith.constant 0 : i32
      %dma_start3A_221 = tpu.memref_slice %arg4[%mul3A_2, %dma_start3A_220] : memref<4096x64xf32, #tpu.memory_space<hbm>> -> memref<128x64xf32, #tpu.memory_space<hbm>>
      tpu.enqueue_dma source(%arg7 : memref<128x64xf32, #tpu.memory_space<vmem>>) target(%dma_start3A_221 : memref<128x64xf32, #tpu.memory_space<hbm>>) target_semaphore(%run_scoped3A : memref<!tpu.dma_semaphore, #tpu.memory_space<semaphore_mem>>)
      %dma_wait3A = arith.constant 0 : i32
      %dma_wait3A_222 = tpu.memref_slice %arg4[%mul3A_2, %dma_wait3A] : memref<4096x64xf32, #tpu.memory_space<hbm>> -> memref<128x64xf32, #tpu.memory_space<hbm>>
      %dma_wait3A_223 = arith.constant 0 : i32
      %dma_wait3A_224 = tpu.memref_slice %arg4[%mul3A_2, %dma_wait3A_223] : memref<4096x64xf32, #tpu.memory_space<hbm>> -> memref<128x64xf32, #tpu.memory_space<hbm>>
      tpu.wait_dma2 semaphore(%run_scoped3A : memref<!tpu.dma_semaphore, #tpu.memory_space<semaphore_mem>>) src(%arg7 : memref<128x64xf32, #tpu.memory_space<vmem>>) dst(%dma_wait3A_224 : memref<128x64xf32, #tpu.memory_space<hbm>>)
      tpu.yield
    }) : () -> ()
    return
  }
}

module attributes {stable_mosaic.version = 14 : i64} {
  func.func @body(%arg0: memref<4096x200xi32, #tpu.memory_space<vmem>>, %arg1: memref<4096x64xf32, #tpu.memory_space<vmem>>, %arg2: memref<64x128xf32, #tpu.memory_space<vmem>>, %arg3: memref<1x128xf32, #tpu.memory_space<vmem>>, %arg4: memref<4096x128xf32, #tpu.memory_space<vmem>>) attributes {dimension_semantics = [], scalar_prefetch = 0 : i64, scratch_operands = 0 : i64, tpu.core_type = #tpu.core_type<tc>} {
    %get3A = arith.constant 0 : index
    %get3A_0 = arith.constant 0 : index
    %get3A_1 = vector.load %arg0[%get3A, %get3A_0] : memref<4096x200xi32, #tpu.memory_space<vmem>>, vector<4096x200xi32>
    %ne3A = arith.constant 100000 : i32
    %ne3A_2 = vector.broadcast %ne3A : i32 to vector<4096x200xi32>
    %ne3A_3 = arith.cmpi ne, %get3A_1, %ne3A_2 : vector<4096x200xi32>
    %convert_element_type3A = arith.extui %ne3A_3 : vector<4096x200xi1> to vector<4096x200xi32>
    %convert_element_type3A_4 = arith.sitofp %convert_element_type3A : vector<4096x200xi32> to vector<4096x200xf32>
    %reduce_sum3A = arith.constant dense<0.000000e+00> : vector<4096xf32>
    %reduce_sum3A_5 = vector.multi_reduction <add>, %convert_element_type3A_4, %reduce_sum3A [1] : vector<4096x200xf32> to vector<4096xf32>
    %broadcast_in_dim3A = vector.shape_cast %reduce_sum3A_5 : vector<4096xf32> to vector<4096x1xf32>
    %get3A_6 = arith.constant 0 : index
    %get3A_7 = arith.constant 0 : index
    %get3A_8 = vector.load %arg1[%get3A_6, %get3A_7] : memref<4096x64xf32, #tpu.memory_space<vmem>>, vector<4096x64xf32>
    %max3A = arith.constant 1.000000e+00 : f32
    %max3A_9 = vector.broadcast %max3A : f32 to vector<4096x1xf32>
    %max3A_10 = arith.maximumf %broadcast_in_dim3A, %max3A_9 : vector<4096x1xf32>
    %div3A = vector.broadcast %max3A_10 : vector<4096x1xf32> to vector<4096x64xf32>
    %div3A_11 = arith.divf %get3A_8, %div3A : vector<4096x64xf32>
    %get3A_12 = arith.constant 0 : index
    %get3A_13 = arith.constant 0 : index
    %get3A_14 = vector.load %arg2[%get3A_12, %get3A_13] : memref<64x128xf32, #tpu.memory_space<vmem>>, vector<64x128xf32>
    %dot_general3A = arith.constant dense<0.000000e+00> : vector<4096x128xf32>
    %dot_general3A_15 = tpu.matmul %div3A_11, %get3A_14, %dot_general3A {dimension_numbers = #tpu.dot_dimension_numbers<[1], [0], [0], [1], [0, 0, 1, 1], [], []>, transpose_lhs_hint = false} : vector<4096x64xf32>, vector<64x128xf32>, vector<4096x128xf32> -> vector<4096x128xf32>
    %get3A_16 = arith.constant 0 : index
    %get3A_17 = arith.constant 0 : index
    %get3A_18 = vector.load %arg3[%get3A_16, %get3A_17] : memref<1x128xf32, #tpu.memory_space<vmem>>, vector<1x128xf32>
    %add3A = vector.broadcast %get3A_18 : vector<1x128xf32> to vector<4096x128xf32>
    %add3A_19 = arith.addf %dot_general3A_15, %add3A : vector<4096x128xf32>
    %swap3A = arith.constant 0 : index
    %swap3A_20 = arith.constant 0 : index
    %swap3A_21 = vector.load %arg4[%swap3A, %swap3A_20] : memref<4096x128xf32, #tpu.memory_space<vmem>>, vector<4096x128xf32>
    tpu.vector_store %arg4[%swap3A, %swap3A_20], %add3A_19 {strides = array<i32>} : memref<4096x128xf32, #tpu.memory_space<vmem>>, vector<4096x128xf32>,
    return
  }
}

</mosaic_0001>

<sc_bundles>
// kernel: kernel.5.cloned.1.call-start
scs
__scs_entry_jumppad:
0x0: {  	(pc) =	sbr.rel $0x88, $3  }
0x1: {  	(tag) =	ssettag $0x0;
	lr =	simm.s32 $0x1  }
0x2: {  	[smem:$0x3F9D] =	sst lr;
	_ =	strace $0xD0000000  }
0x3: {  	_ = 	snop  }
0x4: {  	_ = 	snop  }
0x5: {  	_ = 	snop  }
0x6: {  	_ = 	snop  }
0x7: {  	_ = 	snop  }
__scs_overlays_trampoline_lowered:
0x8: {  	[smem:$0x3FAC] =	sst s0  }
0x9: {  	[smem:$0x3FAD] =	sst s1  }
0xa: {  	[smem:$0x3FAE] =	sst s2  }
0xb: {  	[smem:$0x3FAF] =	sst s3  }
0xc: {  	[smem:$0x3FB0] =	sst s4  }
0xd: {  	[smem:$0x3FB1] =	sst s5  }
0xe: {  	[smem:$0x3FB2] =	sst s6  }
0xf: {  	[smem:$0x3FB3] =	sst s7  }
0x10: {  	[smem:$0x3FB4] =	sst s8  }
0x11: {  	[smem:$0x3FB5] =	sst s9;
	s0 =	simm.s32 @!p0 $0x0  }
0x12: {  	s1 =	sld [smem:$0x3F9B];
	s0 =	simm.s32 @p0 $0x1  }
0x13: {  	[smem:$0x3FB6] =	sst s0;
	s0 =	simm.s32 @!p1 $0x0  }
0x14: {  	s2 =	sld [smem:$0x3F9A];
	s0 =	simm.s32 @p1 $0x1  }
0x15: {  	[smem:$0x3FB7] =	sst s0;
	s0 =	simm.s32 @!p2 $0x0  }
0x16: {  	s3 =	sld [smem:$0x3FDB];
	s0 =	simm.s32 @p2 $0x1  }
0x17: {  	s4 =	simm.s32 $0x1BF5;
	[smem:$0x3FB9] =	sst s0  }
0x18: {  	s0 =	sld [smem:$0x3F9C];
	_ =	swait.ge [sflag:s4], $0x0  }
0x19: {  	s7 =	sld [smem:$0x3F9D]  }
0x1a: {  	s8 =	sadd.s32 $0xFFFFE003, lr  }
0x1b: {  	s9 =	sadd.s32 $0xFFFFFEF7, lr;
	s5 =	simm.s32 $0xFFFFFFFF;
	p2 =	slt.u32 s8, $0xFFFFF086  }
0x1c: {  	p1 =	slt.u32 s9, $0xF7A;
	s5 =	simm.s32 @!p2 $0x0  }
0x1d: {  	s5 =	simm.s32 @p1 $0x1;
	p0 =	seq.s32 s7, s2  }
0x1e: {  	s7 =	smul.u32 @!p0 $0xF7A, s2;
	p2 =	seq.s32 @!p0 s5, $0x0  }
0x1f: {  	s9 =	smul.u32 $0xF7A, s1;
	s8 =	simm.s32 @!p0 $0x1BF5;
	p2 =	por !p2, p0  }
0x20: {  	[sflag:s8] =	ssyncset.s32 @!p0 $0xFFFFF086;
	s6 =	sadd.s32 @!p0 s3, s7;
	s7 =	simm.s32 @!p0 $0x108  }
0x21: {  	s3 =	sadd.s32 s3, s9;
	s6 =	sadd.s32 @!p0 $0x88, s6;
	s7 =	simm.s32 @p2 $0x1082  }
0x22: {  	[simem:s7], [sflag:s8] =	dma.local @!p0 [hbm:s6], $0xF7A  }
0x23: {  	s9 =	sor.u32 $0xD0000000, s2;
	s6 =	simm.s32 $0x108;
	_ =	swait.ge @!p0 [sflag:s8], $0x0  }
0x24: {  	s3 =	sadd.s32 $0x88, s3;
	s6 =	simm.s32 @!p1 $0x1082;
	[sflag:s4] =	ssyncset.s32 $0xFFFFF086  }
0x25: {  	[simem:s6], [sflag:s4] =	dma.local [hbm:s3], $0xF7A  }
0x26: {  	[smem:$0x3F9D] =	sst s1;
	(tag) =	ssettag s2;
	_ =	strace s9  }
0x27: {  	s1 =	sld [smem:$0x3FAD]  }
0x28: {  	s2 =	sld [smem:$0x3FAE]  }
0x29: {  	s4 =	sld [smem:$0x3FB0]  }
0x2a: {  	p0 =	seq.s32 s5, $0x0;
	s5 =	sld [smem:$0x3FB1]  }
0x2b: {  	s6 =	sld [smem:$0x3FB2]  }
0x2c: {  	s7 =	sld [smem:$0x3FB3]  }
0x2d: {  	s3 =	simm.s32 $0x108;
	s8 =	sld [smem:$0x3FB4]  }
0x2e: {  	s3 =	simm.s32 @!p0 $0x1082;
	s9 =	sld [smem:$0x3FB5]  }
0x2f: {  	lr =	sadd.s32 s0, s3;
	s0 =	sld [smem:$0x3FAC]  }
0x30: {  	s3 =	sld [smem:$0x3FAF]  }
0x31: {  	[smem:$0x3FB8] =	sst s10  }
0x32: {  	s10 =	sld [smem:$0x3FB6];
	_ =	sdelay $0x3  }
0x33: {  	p0 =	seq.s32 s10, $0x1;
	s10 =	sld [smem:$0x3FB8];
	_ =	sdelay $0x3  }
0x34: {  	[smem:$0x3FB8] =	sst s10  }
0x35: {  	s10 =	sld [smem:$0x3FB7];
	_ =	sdelay $0x3  }
0x36: {  	p1 =	seq.s32 s10, $0x1;
	s10 =	sld [smem:$0x3FB8];
	_ =	sdelay $0x3  }
0x37: {  	[smem:$0x3FB8] =	sst s10  }
0x38: {  	s10 =	sld [smem:$0x3FB9]  }
0x39: {  	_ = 	snop;
	(pc) =	sbr.ind lr, $3  }
0x3a: {  	_ = 	snop  }
0x3b: {  	_ = 	snop  }
0x3c: {  	p2 =	seq.s32 s10, $0x1;
	s10 =	sld [smem:$0x3FB8]  }
0x3d: {  	_ =	shalt  }
0x3e: {  	_ =	shalt  }
0x3f: {  	_ =	shalt  }
0x40: {  	_ =	shalt  }
0x41: {  	_ =	shalt  }
0x42: {  	_ =	shalt  }
0x43: {  	_ =	shalt  }
0x44: {  	_ =	shalt  }
0x45: {  	_ =	shalt  }
0x46: {  	_ =	shalt  }
0x47: {  	_ =	shalt  }
0x48: {  	_ =	shalt  }
0x49: {  	_ =	shalt  }
0x4a: {  	_ =	shalt  }
0x4b: {  	_ =	shalt  }
0x4c: {  	_ =	shalt  }
0x4d: {  	_ =	shalt  }
0x4e: {  	_ =	shalt  }
0x4f: {  	_ =	shalt  }
0x50: {  	_ =	shalt  }
0x51: {  	_ =	shalt  }
0x52: {  	_ =	shalt  }
0x53: {  	_ =	shalt  }
0x54: {  	_ =	shalt  }
0x55: {  	_ =	shalt  }
0x56: {  	_ =	shalt  }
0x57: {  	_ =	shalt  }
0x58: {  	_ =	shalt  }
0x59: {  	_ =	shalt  }
0x5a: {  	_ =	shalt  }
0x5b: {  	_ =	shalt  }
0x5c: {  	_ =	shalt  }
0x5d: {  	_ =	shalt  }
0x5e: {  	_ =	shalt  }
0x5f: {  	_ =	shalt  }
0x60: {  	_ =	shalt  }
0x61: {  	_ =	shalt  }
0x62: {  	_ =	shalt  }
0x63: {  	_ =	shalt  }
0x64: {  	_ =	shalt  }
0x65: {  	_ =	shalt  }
0x66: {  	_ =	shalt  }
0x67: {  	_ =	shalt  }
0x68: {  	_ =	shalt  }
0x69: {  	_ =	shalt  }
0x6a: {  	_ =	shalt  }
0x6b: {  	_ =	shalt  }
0x6c: {  	_ =	shalt  }
0x6d: {  	_ =	shalt  }
0x6e: {  	_ =	shalt  }
0x6f: {  	_ =	shalt  }
0x70: {  	_ =	shalt  }
0x71: {  	_ =	shalt  }
0x72: {  	_ =	shalt  }
0x73: {  	_ =	shalt  }
0x74: {  	_ =	shalt  }
0x75: {  	_ =	shalt  }
0x76: {  	_ =	shalt  }
0x77: {  	_ =	shalt  }
0x78: {  	_ =	shalt  }
0x79: {  	_ =	shalt  }
0x7a: {  	_ =	shalt  }
0x7b: {  	_ =	shalt  }
0x7c: {  	_ =	shalt  }
0x7d: {  	_ =	shalt  }
0x7e: {  	_ =	shalt  }
0x7f: {  	_ =	shalt  }
0x80: {  	_ =	shalt  }
0x81: {  	_ =	shalt  }
0x82: {  	_ =	shalt  }
0x83: {  	_ =	shalt  }
0x84: {  	_ =	shalt  }
0x85: {  	_ =	shalt  }
0x86: {  	_ =	shalt  }
0x87: {  	_ =	shalt  }
.Lfunc_end0:
.L_simem_size_0:
called_computation_lowered:
.L_overlay_start_0:
0x88: {  	s2 =	sld [smem:$0x3FD9]  }
0x89: {  	s3 =	sld [smem:$0x3FFE];
	_ =	sdelay $0x1  }
0x8a: {  	s1 =	srdreg.scid  }
0x8b: {  	s0 =	sand.u32 $0x1, s1  }
0x8c: {  	s16 =	sshll.u32 s0, $0xA;
	s2 =	sadd.s32 s3, s2  }
0x8d: {  	s2 =	sadd.s32 s2, s16  }
0x8e: {  	[smem:$0x3FC4] =	sst s2  }
0x8f: {  	_ = 	snop  }
0x90: {  	(tm) =	ssettm $0x1  }
0x91: {  	s17 =	sld [smem:$0x3FFB];
	_ =	sdelay $0x3  }
0x92: {  	_ =	strace s17  }
0x93: {  	s2 =	sld [smem:$0x3FFC];
	_ =	sdelay $0x3  }
0x94: {  	_ =	strace s2  }
0x95: {  	s2 =	sld [smem:$0x3FFD];
	_ =	sdelay $0x3  }
0x96: {  	_ =	strace s2  }
0x97: {  	_ =	strace $0x8FFFFFFF  }
0x98: {  	s18 =	sld [smem:$0x3FDB];
	_ =	sdelay $0x1  }
0x99: {  	s19 =	simm.s32 $_scs_section_size  }
0x9a: {  	s4 =	simm.s32 $_size__tile_overlayer_lowered;
	s5 =	simm.s32 $_tile_overlayer_lowered  }
0x9b: {  	s22 =	simm.s32 $0x1BFF;
	s21 =	sshll.u32 s5, $0x1;
	s2 =	sadd.s32 s19, s18  }
0x9c: {  	s6 =	simm.s32 $0x0;
	s20 =	sshll.u32 s4, $0x1;
	s4 =	sadd.s32 s21, s2  }
0x9d: {  	[timem:s6], [sflag:s22] =	dma.local [hbm:s4], s20  }
0x9e: {  	_ =	swait.ge [sflag:s22], s20  }
0x9f: {  	s3 =	ssub.s32 $0x0, s20;
	[sflag:s22] =	ssyncset.done $0x0  }
0xa0: {  	[sflag:s22] =	ssyncadd.s32 s3;
	_ =	sdelay $0x1  }
0xa1: {  	s23 =	simm.s32 $0x1B8B  }
0xa2: {  	_ =	swait.ge [sflag:s23], $0x1  }
0xa3: {  	[sflag:s23] =	ssyncset.done $0x0  }
0xa4: {  	s25 =	simm.s32 $0x1B8E;
	s24 =	sld [smem:$0x3FFE];
	[sflag:s23] =	ssyncadd.s32 $0xFFFFFFFF  }
0xa5: {  	s26 =	simm.s32 $execute0_lowered;
	[smem:$0x3FD2] =	sst s25  }
0xa6: {  	s4 =	sshll.u32 s26, $0x1;
	_ =	strace $0x80000046;
	[dreg:$0x1] =	wrdreg $0xFFFFFFFF  }
0xa7: {  	s28 =	simm.s32 $_size_execute0_lowered;
	s2 =	sadd.s32 s2, s4;
	[dreg:$0x0] =	wrdreg $0x0  }
0xa8: {  	s4 =	sshll.u32 s28, $0x1;
	[dreg:$0x2] =	wrdreg s2  }
0xa9: {  	[dreg:$0x3] =	wrdreg s4  }
0xaa: {  	[dreg:$0x4] =	wrdreg $0xC0  }
0xab: {  	_ =	task [dreg:s6], $0x5FFFF  }
0xac: {  	[dreg:$0x1] =	wrdreg $0xFFFFFFFF  }
0xad: {  	[dreg:$0x0] =	wrdreg $0x60  }
0xae: {  	[dreg:$0x2] =	wrdreg s24  }
0xaf: {  	[dreg:$0x3] =	wrdreg $0x9  }
0xb0: {  	_ =	task.clear_ibuf [dreg:s6], $0x4FFFF;
	_ =	strace $0x90000046  }
0xb1: {  	s29 =	simm.s32 $0x9;
	_ =	strace $0x80000048  }
0xb2: {  	_ =	swait.ge [sflag:s29], $0x1  }
0xb3: {  	[sflag:s29] =	ssyncadd.s32 $0xFFFFFFFF  }
0xb4: {  	_ =	strace $0x90000048  }
0xb5: {  	_ =	sfence  }
0xb6: {  	s30 =	sld [smem:$0x0];
	_ =	sdelay $0x2  }
0xb7: {  	s31 =	sshll.u32 s1, $0xD;
	s1 =	sshrl.u32 s1, $0x2  }
0xb8: {  	s3 =	sand.u32 $0x4000, s31;
	s1 =	sadd.s32 s1, s30  }
0xb9: {  	s0 =	sor.u32 s3, s0;
	s1 =	sshll.u32 s1, $0x11  }
0xba: {  	s0 =	sor.u32 s1, s0  }
0xbb: {  	s0 =	sadd.s32 $0x8F2B, s0  }
0xbc: {  	[sflag:s0] =	ssyncadd.remote.s32 $0x1  }
0xbd: {  	_ =	sfence.sel $0xFFFF  }
0xbe: {  	[dreg:$0x0] =	wrdreg $0xFFFFFFFF;
	(pc) =	sbr.abs _section_cstart, $3  }
0xbf: {  	[dreg:$0x1] =	wrdreg $0xFFFFFFFF  }
0xc0: {  	_ =	task.clear_ibuf [dreg:s6], $0x2FFFF;
	_ =	strace $0x9FFFFFFF  }
0xc1: {  	(tm) =	ssettm $0x7FFFFFFF  }
tec
execute0_lowered:
.L_overlay_start_1:
0x0: {  	(tag) =	ssettag $0x1  }
0x1: {  	v0 =	vlaneseq.u32  }
0x2: {  	v0 =	vmul.u32 $0x28, v0;
	_ =	sdelay $0x1  }
0x3: {  	v1 =	vor.u32 $0x1, v0  }
0x4: {  	v2 =	vor.u32 $0x2, v0;
	v3 =	vor.u32 $0x3, v0;
	v4 =	vor.u32 $0x4, v0  }
0x5: {  	s1 =	srdreg.scid;
	v5 =	vor.u32 $0x5, v0;
	v6 =	vor.u32 $0x6, v0;
	v7 =	vor.u32 $0x7, v0  }
0x6: {  	s0 =	stileid.u32;
	s5 =	rddreg [dreg:$0x0];
	s2 =	simm.s32 $0x0;
	v8 =	vadd.s32 $0x8, v0;
	v9 =	vadd.s32 $0x9, v0;
	v10 =	vadd.s32 $0xA, v0  }
0x7: {  	s10 =	simm.s32 $0x18700;
	s11 =	simm.s32 $0xE000;
	s12 =	simm.s32 $0x3;
	v11 =	vadd.s32 $0xB, v0;
	v12 =	vadd.s32 $0xC, v0;
	v13 =	vadd.s32 $0xD, v0  }
0x8: {  	s6 =	sand.u32 $0x1, s1;
	s3 =	sshll.u32 s0, $0x1;
	s1 =	rddreg [dreg:$0x1];
	v14 =	vadd.s32 $0xE, v0;
	v15 =	vadd.s32 $0xF, v0;
	v16 =	vadd.s32 $0x10, v0  }
0x9: {  	s13 =	simm.s32 $0x0;
	[smem:$0x7FF] =	sst s2;
	s3 =	sor.u32 s6, s3;
	v17 =	vadd.s32 $0x11, v0;
	v18 =	vadd.s32 $0x12, v0;
	v19 =	vadd.s32 $0x13, v0  }
0xa: {  	s4 =	sadd.s32 $0x1000, s5;
	s6 =	ssub.s32 $0x2, s6;
	s3 =	smul.u32 $0xC40, s3;
	v20 =	vadd.s32 $0x14, v0;
	v21 =	vadd.s32 $0x15, v0;
	v22 =	vadd.s32 $0x16, v0  }
0xb: {  	s5 =	sadd.s32 $0xC4800, s5;
	_ =	strace $0x80000047;
	s7 =	sshrl.u32 s6, $0x1;
	v23 =	vadd.s32 $0x17, v0;
	v24 =	vadd.s32 $0x18, v0;
	v25 =	vadd.s32 $0x19, v0  }
0xc: {  	v26 =	vadd.s32 $0x1A, v0;
	v27 =	vadd.s32 $0x1B, v0;
	v28 =	vadd.s32 $0x1C, v0;
	s9 =	ssub.s32 s6, s7;
	s8 =	sshrl.u32 s3, $0x3;
	s7 =	sadd.s32 $0x1C0, s3  }
0xd: {  	v29 =	vadd.s32 $0x1D, v0;
	v30 =	vadd.s32 $0x1E, v0;
	v31 =	vadd.s32 $0x1F, v0;
	s6 =	sadd.s32 s4, s8;
	s8 =	smax.u32 s9, $0x1;
	s9 =	simm.s32 $0x1C0  }
.LBB2_1:
0xe: {  	[tilespmem:s2], [sflag:$0x1] =	stream.strided.gather [hbm4b:s6+s9], $0x7000, s10, s9, $0x38;
	[tilespmem:$0x12600] =	vst v63  }
0xf: {  	p0 =	por $0x0, $0x0;
	s14 =	simm.s32 $0x0  }
.LBB2_2:
0x10: {  	p1 =	seq.s32 s14, $0x6  }
0x11: {  	s15 =	smul.u32 @!p1 $0x1C0, s14;
	_ =	sdelay $0x1  }
0x12: {  	s16 =	sand.u32 $0x1, s14;
	s18 =	simm.s32 $0x1;
	s15 =	sadd.s32 @!p1 s15, s7  }
0x13: {  	s17 =	sxor.u32 @!p1 $0x1, s16;
	s18 =	simm.s32 @!p0 $0x0;
	p2 =	slt.s32 @!p1 s15, $0x18540  }
0x14: {  	s20 =	simm.s32 @!p1 $0x1C0;
	s19 =	smul.u32 @!p1 $0x1C000, s17;
	p2 =	por !p2, p1  }
0x15: {  	s21 =	simm.s32 @!p1 $0x18700;
	s30 =	smul.u32 $0x1C000, s18;
	s15 =	simm.s32 @p2 $0x18540  }
0x16: {  	s16 =	sadd.s32 $0x1, s16;
	s17 =	sadd.s32 @!p1 $0x1, s17;
	s15 =	sshrl.u32 @!p1 s15, $0x3  }
0x17: {  	s19 =	sshrl.u32 @!p1 s19, $0x2;
	s31 =	sshrl.u32 s30, $0x2;
	s15 =	sadd.s32 @!p1 s4, s15  }
0x18: {  	[tilespmem:s19], [sflag:s17] =	stream.strided.gather @!p1 [hbm4b:s15+s20], $0x7000, s21, s20, $0x38;
	[tilespmem:$0x12600] =	vst v63  }
0x19: {  	v32 =	vmov s31;
	_ =	swait.ge [sflag:s16], $0x7000  }
0x1a: {  	[sflag:s16] =	ssyncset.done $0x0  }
0x1b: {  	s15 =	simm.s32 $0x0;
	[sflag:s16] =	ssyncadd.s32 $0xFFFF9000;
	s16 =	simm.s32 $0x0  }
.LBB2_3:
0x1c: {  	v33 =	vmov s15  }
0x1d: {  	s17 =	sshra.s32 s16, $0x2;
	v33 =	vmul.u32 $0x28, v33  }
0x1e: {  	v34 =	vld.idx.msk [tilespmem:v32+s17+$0x0 ss:$0x1], $0xffff  }
0x1f: {  	v35 =	vld.idx.msk [tilespmem:v32+s17+$0x1C0 ss:$0x1], $0xffff;
	v33 =	vbroadcast v33, $0x0;
	_ =	sdelay $0x1  }
0x20: {  	v36 =	vadd.s32 v0, v33;
	_ =	sdelay $0x2  }
0x21: {  	v34 =	vshrl.u32 v34, $0x10;
	v35 =	vand.u32 $0xFFFF0000, v35  }
0x22: {  	v34 =	vor.u32 v34, v35  }
0x23: {  	[tilespmem:v36+s11+$0x0] =	vst.idx.msk $0xffff, v34  }
0x24: {  	v34 =	vld.idx.msk [tilespmem:v32+s17+$0x380 ss:$0x1], $0xffff  }
0x25: {  	v51 =	vld.idx.msk [tilespmem:v32+s17+$0x540 ss:$0x1], $0xffff;
	_ =	sdelay $0x1  }
0x26: {  	v52 =	vadd.s32 v1, v33;
	_ =	sdelay $0x2  }
0x27: {  	v34 =	vshrl.u32 v34, $0x10;
	v35 =	vand.u32 $0xFFFF0000, v51  }
0x28: {  	v34 =	vor.u32 v34, v35  }
0x29: {  	[tilespmem:v52+s11+$0x0] =	vst.idx.msk $0xffff, v34  }
0x2a: {  	v34 =	vld.idx.msk [tilespmem:v32+s17+$0x700 ss:$0x1], $0xffff  }
0x2b: {  	v53 =	vld.idx.msk [tilespmem:v32+s17+$0x8C0 ss:$0x1], $0xffff;
	_ =	sdelay $0x1  }
0x2c: {  	v54 =	vadd.s32 v2, v33;
	_ =	sdelay $0x2  }
0x2d: {  	v34 =	vshrl.u32 v34, $0x10;
	v35 =	vand.u32 $0xFFFF0000, v53  }
0x2e: {  	v34 =	vor.u32 v34, v35  }
0x2f: {  	[tilespmem:v54+s11+$0x0] =	vst.idx.msk $0xffff, v34  }
0x30: {  	v34 =	vld.idx.msk [tilespmem:v32+s17+$0xA80 ss:$0x1], $0xffff  }
0x31: {  	v55 =	vld.idx.msk [tilespmem:v32+s17+$0xC40 ss:$0x1], $0xffff;
	_ =	sdelay $0x1  }
0x32: {  	v56 =	vadd.s32 v3, v33;
	_ =	sdelay $0x2  }
0x33: {  	v34 =	vshrl.u32 v34, $0x10;
	v35 =	vand.u32 $0xFFFF0000, v55  }
0x34: {  	v34 =	vor.u32 v34, v35  }
0x35: {  	[tilespmem:v56+s11+$0x0] =	vst.idx.msk $0xffff, v34  }
0x36: {  	v34 =	vld.idx.msk [tilespmem:v32+s17+$0xE00 ss:$0x1], $0xffff  }
0x37: {  	v57 =	vld.idx.msk [tilespmem:v32+s17+$0xFC0 ss:$0x1], $0xffff;
	_ =	sdelay $0x1  }
0x38: {  	v58 =	vadd.s32 v4, v33;
	_ =	sdelay $0x2  }
0x39: {  	v34 =	vshrl.u32 v34, $0x10;
	v35 =	vand.u32 $0xFFFF0000, v57  }
0x3a: {  	v34 =	vor.u32 v34, v35  }
0x3b: {  	[tilespmem:v58+s11+$0x0] =	vst.idx.msk $0xffff, v34  }
0x3c: {  	v34 =	vld.idx.msk [tilespmem:v32+s17+$0x1180 ss:$0x1], $0xffff  }
0x3d: {  	v59 =	vld.idx.msk [tilespmem:v32+s17+$0x1340 ss:$0x1], $0xffff;
	_ =	sdelay $0x1  }
0x3e: {  	v60 =	vadd.s32 v5, v33;
	_ =	sdelay $0x2  }
0x3f: {  	v34 =	vshrl.u32 v34, $0x10;
	v35 =	vand.u32 $0xFFFF0000, v59  }
0x40: {  	v34 =	vor.u32 v34, v35  }
0x41: {  	[tilespmem:v60+s11+$0x0] =	vst.idx.msk $0xffff, v34  }
0x42: {  	v34 =	vld.idx.msk [tilespmem:v32+s17+$0x1500 ss:$0x1], $0xffff  }
0x43: {  	v61 =	vld.idx.msk [tilespmem:v32+s17+$0x16C0 ss:$0x1], $0xffff;
	_ =	sdelay $0x1  }
0x44: {  	v62 =	vadd.s32 v6, v33;
	_ =	sdelay $0x2  }
0x45: {  	v34 =	vshrl.u32 v34, $0x10;
	v35 =	vand.u32 $0xFFFF0000, v61  }
0x46: {  	v34 =	vor.u32 v34, v35  }
0x47: {  	[tilespmem:v62+s11+$0x0] =	vst.idx.msk $0xffff, v34  }
0x48: {  	v34 =	vld.idx.msk [tilespmem:v32+s17+$0x1880 ss:$0x1], $0xffff  }
0x49: {  	v63 =	vld.idx.msk [tilespmem:v32+s17+$0x1A40 ss:$0x1], $0xffff;
	_ =	sdelay $0x1  }
0x4a: {  	v40 =	vadd.s32 v7, v33;
	_ =	sdelay $0x2  }
0x4b: {  	v34 =	vshrl.u32 v34, $0x10;
	v35 =	vand.u32 $0xFFFF0000, v63  }
0x4c: {  	v34 =	vor.u32 v34, v35  }
0x4d: {  	[tilespmem:v40+s11+$0x0] =	vst.idx.msk $0xffff, v34  }
0x4e: {  	v34 =	vld.idx.msk [tilespmem:v32+s17+$0x1C00 ss:$0x1], $0xffff  }
0x4f: {  	v41 =	vld.idx.msk [tilespmem:v32+s17+$0x1DC0 ss:$0x1], $0xffff;
	_ =	sdelay $0x1  }
0x50: {  	v42 =	vadd.s32 v8, v33;
	_ =	sdelay $0x2  }
0x51: {  	v34 =	vshrl.u32 v34, $0x10;
	v35 =	vand.u32 $0xFFFF0000, v41  }
0x52: {  	v34 =	vor.u32 v34, v35  }
0x53: {  	[tilespmem:v42+s11+$0x0] =	vst.idx.msk $0xffff, v34  }
0x54: {  	v34 =	vld.idx.msk [tilespmem:v32+s17+$0x1F80 ss:$0x1], $0xffff  }
0x55: {  	v43 =	vld.idx.msk [tilespmem:v32+s17+$0x2140 ss:$0x1], $0xffff;
	_ =	sdelay $0x1  }
0x56: {  	v44 =	vadd.s32 v9, v33;
	_ =	sdelay $0x2  }
0x57: {  	v34 =	vshrl.u32 v34, $0x10;
	v35 =	vand.u32 $0xFFFF0000, v43  }
0x58: {  	v34 =	vor.u32 v34, v35  }
0x59: {  	[tilespmem:v44+s11+$0x0] =	vst.idx.msk $0xffff, v34  }
0x5a: {  	v34 =	vld.idx.msk [tilespmem:v32+s17+$0x2300 ss:$0x1], $0xffff  }
0x5b: {  	v45 =	vld.idx.msk [tilespmem:v32+s17+$0x24C0 ss:$0x1], $0xffff;
	_ =	sdelay $0x1  }
0x5c: {  	v46 =	vadd.s32 v10, v33;
	_ =	sdelay $0x2  }
0x5d: {  	v34 =	vshrl.u32 v34, $0x10;
	v35 =	vand.u32 $0xFFFF0000, v45  }
0x5e: {  	v34 =	vor.u32 v34, v35  }
0x5f: {  	[tilespmem:v46+s11+$0x0] =	vst.idx.msk $0xffff, v34  }
0x60: {  	v34 =	vld.idx.msk [tilespmem:v32+s17+$0x2680 ss:$0x1], $0xffff  }
0x61: {  	v47 =	vld.idx.msk [tilespmem:v32+s17+$0x2840 ss:$0x1], $0xffff;
	_ =	sdelay $0x1  }
0x62: {  	v48 =	vadd.s32 v11, v33;
	_ =	sdelay $0x2  }
0x63: {  	v34 =	vshrl.u32 v34, $0x10;
	v35 =	vand.u32 $0xFFFF0000, v47  }
0x64: {  	v34 =	vor.u32 v34, v35  }
0x65: {  	[tilespmem:v48+s11+$0x0] =	vst.idx.msk $0xffff, v34  }
0x66: {  	v34 =	vld.idx.msk [tilespmem:v32+s17+$0x2A00 ss:$0x1], $0xffff  }
0x67: {  	v49 =	vld.idx.msk [tilespmem:v32+s17+$0x2BC0 ss:$0x1], $0xffff;
	_ =	sdelay $0x1  }
0x68: {  	v50 =	vadd.s32 v12, v33;
	_ =	sdelay $0x2  }
0x69: {  	v34 =	vshrl.u32 v34, $0x10;
	v35 =	vand.u32 $0xFFFF0000, v49  }
0x6a: {  	v34 =	vor.u32 v34, v35  }
0x6b: {  	[tilespmem:v50+s11+$0x0] =	vst.idx.msk $0xffff, v34  }
0x6c: {  	v34 =	vld.idx.msk [tilespmem:v32+s17+$0x2D80 ss:$0x1], $0xffff  }
0x6d: {  	v51 =	vld.idx.msk [tilespmem:v32+s17+$0x2F40 ss:$0x1], $0xffff;
	_ =	sdelay $0x1  }
0x6e: {  	v52 =	vadd.s32 v13, v33;
	_ =	sdelay $0x2  }
0x6f: {  	v34 =	vshrl.u32 v34, $0x10;
	v35 =	vand.u32 $0xFFFF0000, v51  }
0x70: {  	v34 =	vor.u32 v34, v35  }
0x71: {  	[tilespmem:v52+s11+$0x0] =	vst.idx.msk $0xffff, v34  }
0x72: {  	v34 =	vld.idx.msk [tilespmem:v32+s17+$0x3100 ss:$0x1], $0xffff  }
0x73: {  	v53 =	vld.idx.msk [tilespmem:v32+s17+$0x32C0 ss:$0x1], $0xffff;
	_ =	sdelay $0x1  }
0x74: {  	v54 =	vadd.s32 v14, v33;
	_ =	sdelay $0x2  }
0x75: {  	v34 =	vshrl.u32 v34, $0x10;
	v35 =	vand.u32 $0xFFFF0000, v53  }
0x76: {  	v34 =	vor.u32 v34, v35  }
0x77: {  	[tilespmem:v54+s11+$0x0] =	vst.idx.msk $0xffff, v34  }
0x78: {  	v34 =	vld.idx.msk [tilespmem:v32+s17+$0x3480 ss:$0x1], $0xffff  }
0x79: {  	v55 =	vld.idx.msk [tilespmem:v32+s17+$0x3640 ss:$0x1], $0xffff;
	_ =	sdelay $0x1  }
0x7a: {  	v56 =	vadd.s32 v15, v33;
	_ =	sdelay $0x2  }
0x7b: {  	v34 =	vshrl.u32 v34, $0x10;
	v35 =	vand.u32 $0xFFFF0000, v55  }
0x7c: {  	v34 =	vor.u32 v34, v35  }
0x7d: {  	[tilespmem:v56+s11+$0x0] =	vst.idx.msk $0xffff, v34  }
0x7e: {  	v34 =	vld.idx.msk [tilespmem:v32+s17+$0x3800 ss:$0x1], $0xffff  }
0x7f: {  	v57 =	vld.idx.msk [tilespmem:v32+s17+$0x39C0 ss:$0x1], $0xffff;
	_ =	sdelay $0x1  }
0x80: {  	v58 =	vadd.s32 v16, v33;
	_ =	sdelay $0x2  }
0x81: {  	v34 =	vshrl.u32 v34, $0x10;
	v35 =	vand.u32 $0xFFFF0000, v57  }
0x82: {  	v34 =	vor.u32 v34, v35  }
0x83: {  	[tilespmem:v58+s11+$0x0] =	vst.idx.msk $0xffff, v34  }
0x84: {  	v34 =	vld.idx.msk [tilespmem:v32+s17+$0x3B80 ss:$0x1], $0xffff  }
0x85: {  	v59 =	vld.idx.msk [tilespmem:v32+s17+$0x3D40 ss:$0x1], $0xffff;
	_ =	sdelay $0x1  }
0x86: {  	v60 =	vadd.s32 v17, v33;
	_ =	sdelay $0x2  }
0x87: {  	v34 =	vshrl.u32 v34, $0x10;
	v35 =	vand.u32 $0xFFFF0000, v59  }
0x88: {  	v34 =	vor.u32 v34, v35  }
0x89: {  	[tilespmem:v60+s11+$0x0] =	vst.idx.msk $0xffff, v34  }
0x8a: {  	v34 =	vld.idx.msk [tilespmem:v32+s17+$0x3F00 ss:$0x1], $0xffff  }
0x8b: {  	v61 =	vld.idx.msk [tilespmem:v32+s17+$0x40C0 ss:$0x1], $0xffff;
	_ =	sdelay $0x1  }
0x8c: {  	v62 =	vadd.s32 v18, v33;
	_ =	sdelay $0x2  }
0x8d: {  	v34 =	vshrl.u32 v34, $0x10;
	v35 =	vand.u32 $0xFFFF0000, v61  }
0x8e: {  	v34 =	vor.u32 v34, v35  }
0x8f: {  	[tilespmem:v62+s11+$0x0] =	vst.idx.msk $0xffff, v34  }
0x90: {  	v34 =	vld.idx.msk [tilespmem:v32+s17+$0x4280 ss:$0x1], $0xffff  }
0x91: {  	v63 =	vld.idx.msk [tilespmem:v32+s17+$0x4440 ss:$0x1], $0xffff;
	_ =	sdelay $0x1  }
0x92: {  	v40 =	vadd.s32 v19, v33;
	_ =	sdelay $0x2  }
0x93: {  	v34 =	vshrl.u32 v34, $0x10;
	v35 =	vand.u32 $0xFFFF0000, v63  }
0x94: {  	v34 =	vor.u32 v34, v35  }
0x95: {  	[tilespmem:v40+s11+$0x0] =	vst.idx.msk $0xffff, v34  }
0x96: {  	v34 =	vld.idx.msk [tilespmem:v32+s17+$0x4600 ss:$0x1], $0xffff  }
0x97: {  	v41 =	vld.idx.msk [tilespmem:v32+s17+$0x47C0 ss:$0x1], $0xffff;
	_ =	sdelay $0x1  }
0x98: {  	v42 =	vadd.s32 v20, v33;
	_ =	sdelay $0x2  }
0x99: {  	v34 =	vshrl.u32 v34, $0x10;
	v35 =	vand.u32 $0xFFFF0000, v41  }
0x9a: {  	v34 =	vor.u32 v34, v35  }
0x9b: {  	[tilespmem:v42+s11+$0x0] =	vst.idx.msk $0xffff, v34  }
0x9c: {  	v34 =	vld.idx.msk [tilespmem:v32+s17+$0x4980 ss:$0x1], $0xffff  }
0x9d: {  	v43 =	vld.idx.msk [tilespmem:v32+s17+$0x4B40 ss:$0x1], $0xffff;
	_ =	sdelay $0x1  }
0x9e: {  	v44 =	vadd.s32 v21, v33;
	_ =	sdelay $0x2  }
0x9f: {  	v34 =	vshrl.u32 v34, $0x10;
	v35 =	vand.u32 $0xFFFF0000, v43  }
0xa0: {  	v34 =	vor.u32 v34, v35  }
0xa1: {  	[tilespmem:v44+s11+$0x0] =	vst.idx.msk $0xffff, v34  }
0xa2: {  	v34 =	vld.idx.msk [tilespmem:v32+s17+$0x4D00 ss:$0x1], $0xffff  }
0xa3: {  	v45 =	vld.idx.msk [tilespmem:v32+s17+$0x4EC0 ss:$0x1], $0xffff;
	_ =	sdelay $0x1  }
0xa4: {  	v46 =	vadd.s32 v22, v33;
	_ =	sdelay $0x2  }
0xa5: {  	v34 =	vshrl.u32 v34, $0x10;
	v35 =	vand.u32 $0xFFFF0000, v45  }
0xa6: {  	v34 =	vor.u32 v34, v35  }
0xa7: {  	[tilespmem:v46+s11+$0x0] =	vst.idx.msk $0xffff, v34  }
0xa8: {  	v34 =	vld.idx.msk [tilespmem:v32+s17+$0x5080 ss:$0x1], $0xffff  }
0xa9: {  	v47 =	vld.idx.msk [tilespmem:v32+s17+$0x5240 ss:$0x1], $0xffff;
	_ =	sdelay $0x1  }
0xaa: {  	v48 =	vadd.s32 v23, v33;
	_ =	sdelay $0x2  }
0xab: {  	v34 =	vshrl.u32 v34, $0x10;
	v35 =	vand.u32 $0xFFFF0000, v47  }
0xac: {  	v34 =	vor.u32 v34, v35  }
0xad: {  	[tilespmem:v48+s11+$0x0] =	vst.idx.msk $0xffff, v34  }
0xae: {  	v34 =	vld.idx.msk [tilespmem:v32+s17+$0x5400 ss:$0x1], $0xffff  }
0xaf: {  	v49 =	vld.idx.msk [tilespmem:v32+s17+$0x55C0 ss:$0x1], $0xffff;
	_ =	sdelay $0x1  }
0xb0: {  	v50 =	vadd.s32 v24, v33;
	_ =	sdelay $0x2  }
0xb1: {  	v34 =	vshrl.u32 v34, $0x10;
	v35 =	vand.u32 $0xFFFF0000, v49  }
0xb2: {  	v34 =	vor.u32 v34, v35  }
0xb3: {  	[tilespmem:v50+s11+$0x0] =	vst.idx.msk $0xffff, v34  }
0xb4: {  	v34 =	vld.idx.msk [tilespmem:v32+s17+$0x5780 ss:$0x1], $0xffff  }
0xb5: {  	v51 =	vld.idx.msk [tilespmem:v32+s17+$0x5940 ss:$0x1], $0xffff;
	_ =	sdelay $0x1  }
0xb6: {  	v52 =	vadd.s32 v25, v33;
	_ =	sdelay $0x2  }
0xb7: {  	v34 =	vshrl.u32 v34, $0x10;
	v35 =	vand.u32 $0xFFFF0000, v51  }
0xb8: {  	v34 =	vor.u32 v34, v35  }
0xb9: {  	[tilespmem:v52+s11+$0x0] =	vst.idx.msk $0xffff, v34  }
0xba: {  	v34 =	vld.idx.msk [tilespmem:v32+s17+$0x5B00 ss:$0x1], $0xffff  }
0xbb: {  	v53 =	vld.idx.msk [tilespmem:v32+s17+$0x5CC0 ss:$0x1], $0xffff;
	_ =	sdelay $0x1  }
0xbc: {  	v54 =	vadd.s32 v26, v33;
	_ =	sdelay $0x2  }
0xbd: {  	v34 =	vshrl.u32 v34, $0x10;
	v35 =	vand.u32 $0xFFFF0000, v53  }
0xbe: {  	v34 =	vor.u32 v34, v35  }
0xbf: {  	[tilespmem:v54+s11+$0x0] =	vst.idx.msk $0xffff, v34  }
0xc0: {  	v34 =	vld.idx.msk [tilespmem:v32+s17+$0x5E80 ss:$0x1], $0xffff  }
0xc1: {  	v55 =	vld.idx.msk [tilespmem:v32+s17+$0x6040 ss:$0x1], $0xffff;
	_ =	sdelay $0x1  }
0xc2: {  	v56 =	vadd.s32 v27, v33;
	_ =	sdelay $0x2  }
0xc3: {  	v34 =	vshrl.u32 v34, $0x10;
	v35 =	vand.u32 $0xFFFF0000, v55  }
0xc4: {  	v34 =	vor.u32 v34, v35  }
0xc5: {  	[tilespmem:v56+s11+$0x0] =	vst.idx.msk $0xffff, v34  }
0xc6: {  	v34 =	vld.idx.msk [tilespmem:v32+s17+$0x6200 ss:$0x1], $0xffff  }
0xc7: {  	v57 =	vld.idx.msk [tilespmem:v32+s17+$0x63C0 ss:$0x1], $0xffff;
	_ =	sdelay $0x1  }
0xc8: {  	v58 =	vadd.s32 v28, v33;
	_ =	sdelay $0x2  }
0xc9: {  	v34 =	vshrl.u32 v34, $0x10;
	v35 =	vand.u32 $0xFFFF0000, v57  }
0xca: {  	v34 =	vor.u32 v34, v35  }
0xcb: {  	[tilespmem:v58+s11+$0x0] =	vst.idx.msk $0xffff, v34  }
0xcc: {  	v34 =	vld.idx.msk [tilespmem:v32+s17+$0x6580 ss:$0x1], $0xffff  }
0xcd: {  	v59 =	vld.idx.msk [tilespmem:v32+s17+$0x6740 ss:$0x1], $0xffff;
	_ =	sdelay $0x1  }
0xce: {  	v60 =	vadd.s32 v29, v33;
	_ =	sdelay $0x2  }
0xcf: {  	v34 =	vshrl.u32 v34, $0x10;
	v35 =	vand.u32 $0xFFFF0000, v59  }
0xd0: {  	v34 =	vor.u32 v34, v35  }
0xd1: {  	[tilespmem:v60+s11+$0x0] =	vst.idx.msk $0xffff, v34  }
0xd2: {  	v34 =	vld.idx.msk [tilespmem:v32+s17+$0x6900 ss:$0x1], $0xffff  }
0xd3: {  	v61 =	vld.idx.msk [tilespmem:v32+s17+$0x6AC0 ss:$0x1], $0xffff;
	_ =	sdelay $0x1  }
0xd4: {  	v62 =	vadd.s32 v30, v33;
	_ =	sdelay $0x2  }
0xd5: {  	v34 =	vshrl.u32 v34, $0x10;
	v35 =	vand.u32 $0xFFFF0000, v61  }
0xd6: {  	v34 =	vor.u32 v34, v35  }
0xd7: {  	[tilespmem:v62+s11+$0x0] =	vst.idx.msk $0xffff, v34  }
0xd8: {  	v34 =	vld.idx.msk [tilespmem:v32+s17+$0x6C80 ss:$0x1], $0xffff  }
0xd9: {  	v63 =	vld.idx.msk [tilespmem:v32+s17+$0x6E40 ss:$0x1], $0xffff;
	_ =	sdelay $0x1  }
0xda: {  	p1 =	sne.s32 s16, $0x6C0;
	v33 =	vadd.s32 v31, v33  }
.Ltmp0:
0xdb: {  	_ = 	snop;
	(pc) =	sbr.rel @p1 .LBB2_3-.Ltmp0, $4  }
0xdc: {  	_ = 	snop  }
0xdd: {  	v34 =	vshrl.u32 v34, $0x10;
	v35 =	vand.u32 $0xFFFF0000, v63  }
0xde: {  	v34 =	vor.u32 v34, v35  }
0xdf: {  	s15 =	sadd.s32 $0x10, s15;
	s16 =	sadd.s32 $0x40, s16;
	[tilespmem:v33+s11+$0x0] =	vst.idx.msk $0xffff, v34  }
0xe0: {  	s15 =	smul.u32 $0x1C0, s14;
	_ =	sdelay $0x1  }
0xe1: {  	s15 =	sadd.s32 s3, s15  }
0xe2: {  	p1 =	slt.s32 s15, $0x18540  }
0xe3: {  	s15 =	simm.s32 @!p1 $0x18540  }
0xe4: {  	s15 =	sshll.u32 s15, $0x2  }
0xe5: {  	s16 =	simm.s32 $0xE000;
	s15 =	sadd.s32 s5, s15  }
0xe6: {  	s17 =	simm.s32 $0x4;
	s18 =	simm.s32 $0xE028;
	s19 =	sadd.s32 $0x0, s15  }
.LBB2_5:
0xe7: {  	[hbm4b:s19+s2] =	stream.linear.scatter [tilespmem:s16], [sflag:$0x3], $0x20, $0x38;
	[tilespmem:$0x12600] =	vst v63  }
0xe8: {  	s19 =	smov.u32 s17;
	s16 =	smov.u32 s18;
	p1 =	sne.s32 s17, $0x6FC  }
.Ltmp1:
0xe9: {  	s17 =	sadd.s32 $0x4, s17;
	(pc) =	sbr.rel @p1 .LBB2_5-.Ltmp1, $2  }
0xea: {  	_ =	sdelay $0x2  }
0xeb: {  	s18 =	sadd.s32 $0x28, s18;
	s19 =	sadd.s32 s19, s15  }
0xec: {  	s14 =	sadd.s32 $0x1, s14  }
0xed: {  	p1 =	sne.s32 s14, $0x7  }
.Ltmp2:
0xee: {  	_ = 	snop;
	(pc) =	sbr.rel @p1 .LBB2_2-.Ltmp2, $4  }
0xef: {  	[hbm4b:s19+s2] =	stream.linear.scatter [tilespmem:s16], [sflag:$0x3], $0x20, $0x38;
	[tilespmem:$0x12600] =	vst v63  }
0xf0: {  	_ =	swait.ge [sflag:s12], $0x3800  }
0xf1: {  	[sflag:s12] =	ssyncset.done $0x0  }
0xf2: {  	p0 =	por !p0, !p0;
	[sflag:s12] =	ssyncadd.s32 $0xFFFFC800  }
0xf3: {  	s13 =	sadd.s32 $0x1, s13  }
0xf4: {  	p0 =	sne.s32 s13, s8  }
.Ltmp3:
0xf5: {  	_ = 	snop;
	(pc) =	sbr.rel @p0 .LBB2_1-.Ltmp3, $1  }
0xf6: {  	_ =	sdelay $0x3  }
0xf7: {  	_ =	sfence.sel $0x180000  }
0xf8: {  	[bflag:$0x0] =	sbarrier.arrive $0xFFFF  }
0xf9: {  	p0 =	sne.s32 s0, $0x0;
	_ =	strace $0x90000047  }
0xfa: {  	s0 =	sadd.s32 @!p0 $0x100000, s1;
	[bflag:$0x2] =	sbarrier.arrive $0xFFFF  }
0xfb: {  	[sflag:s0] =	ssyncadd.tile.s32 @!p0 $0x1;
	_ =	shalt  }
.Lfunc_end2:
_tile_overlayer_lowered:
.L_overlay_start_2:
0xfc: {  	(tag) =	ssettag $0x2  }
0xfd: {  	s0 =	rddreg [dreg:$0x0];
	s2 =	stileid.u32  }
0xfe: {  	s1 =	rddreg [dreg:$0x1];
	p0 =	sne.s32 s2, $0x0  }
0xff: {  	s3 =	rddreg [dreg:$0x2];
	[bflag:$0x3] =	sbarrier.arrive $0xFFFF;
	s2 =	simm.s32 @!p0 $0x1C03  }
0x100: {  	[timem:s3], [sflag:s2] =	dma.local @!p0 [hbm:s0], s1  }
0x101: {  	s0 =	simm.s32 @!p0 $0x3  }
0x102: {  	_ =	swait.ge @!p0 [sflag:s0], s1  }
0x103: {  	s1 =	ssub.s32 @!p0 $0x0, s1;
	[sflag:s0] =	ssyncset.done @!p0 $0x0  }
0x104: {  	[sflag:s0] =	ssyncadd.s32 @!p0 s1  }
0x105: {  	[bflag:$0x3] =	sbarrier.arrive $0xFFFF  }
0x106: {  	_ =	shalt  }

// kernel: kernel.8.cloned.1.call-start
scs
__scs_entry_jumppad:
0x0: {  	(pc) =	sbr.rel $0x88, $3  }
0x1: {  	(tag) =	ssettag $0x0;
	lr =	simm.s32 $0x1  }
0x2: {  	[smem:$0x3F9D] =	sst lr;
	_ =	strace $0xD0000000  }
0x3: {  	_ = 	snop  }
0x4: {  	_ = 	snop  }
0x5: {  	_ = 	snop  }
0x6: {  	_ = 	snop  }
0x7: {  	_ = 	snop  }
__scs_overlays_trampoline_lowered:
0x8: {  	[smem:$0x3FAC] =	sst s0  }
0x9: {  	[smem:$0x3FAD] =	sst s1  }
0xa: {  	[smem:$0x3FAE] =	sst s2  }
0xb: {  	[smem:$0x3FAF] =	sst s3  }
0xc: {  	[smem:$0x3FB0] =	sst s4  }
0xd: {  	[smem:$0x3FB1] =	sst s5  }
0xe: {  	[smem:$0x3FB2] =	sst s6  }
0xf: {  	[smem:$0x3FB3] =	sst s7  }
0x10: {  	[smem:$0x3FB4] =	sst s8  }
0x11: {  	[smem:$0x3FB5] =	sst s9;
	s0 =	simm.s32 @!p0 $0x0  }
0x12: {  	s1 =	sld [smem:$0x3F9B];
	s0 =	simm.s32 @p0 $0x1  }
0x13: {  	[smem:$0x3FB6] =	sst s0;
	s0 =	simm.s32 @!p1 $0x0  }
0x14: {  	s2 =	sld [smem:$0x3F9A];
	s0 =	simm.s32 @p1 $0x1  }
0x15: {  	[smem:$0x3FB7] =	sst s0;
	s0 =	simm.s32 @!p2 $0x0  }
0x16: {  	s3 =	sld [smem:$0x3FDB];
	s0 =	simm.s32 @p2 $0x1  }
0x17: {  	s4 =	simm.s32 $0x1BF5;
	[smem:$0x3FB9] =	sst s0  }
0x18: {  	s0 =	sld [smem:$0x3F9C];
	_ =	swait.ge [sflag:s4], $0x0  }
0x19: {  	s7 =	sld [smem:$0x3F9D]  }
0x1a: {  	s8 =	sadd.s32 $0xFFFFE003, lr  }
0x1b: {  	s9 =	sadd.s32 $0xFFFFFEF7, lr;
	s5 =	simm.s32 $0xFFFFFFFF;
	p2 =	slt.u32 s8, $0xFFFFF086  }
0x1c: {  	p1 =	slt.u32 s9, $0xF7A;
	s5 =	simm.s32 @!p2 $0x0  }
0x1d: {  	s5 =	simm.s32 @p1 $0x1;
	p0 =	seq.s32 s7, s2  }
0x1e: {  	s7 =	smul.u32 @!p0 $0xF7A, s2;
	p2 =	seq.s32 @!p0 s5, $0x0  }
0x1f: {  	s9 =	smul.u32 $0xF7A, s1;
	s8 =	simm.s32 @!p0 $0x1BF5;
	p2 =	por !p2, p0  }
0x20: {  	[sflag:s8] =	ssyncset.s32 @!p0 $0xFFFFF086;
	s6 =	sadd.s32 @!p0 s3, s7;
	s7 =	simm.s32 @!p0 $0x108  }
0x21: {  	s3 =	sadd.s32 s3, s9;
	s6 =	sadd.s32 @!p0 $0x88, s6;
	s7 =	simm.s32 @p2 $0x1082  }
0x22: {  	[simem:s7], [sflag:s8] =	dma.local @!p0 [hbm:s6], $0xF7A  }
0x23: {  	s9 =	sor.u32 $0xD0000000, s2;
	s6 =	simm.s32 $0x108;
	_ =	swait.ge @!p0 [sflag:s8], $0x0  }
0x24: {  	s3 =	sadd.s32 $0x88, s3;
	s6 =	simm.s32 @!p1 $0x1082;
	[sflag:s4] =	ssyncset.s32 $0xFFFFF086  }
0x25: {  	[simem:s6], [sflag:s4] =	dma.local [hbm:s3], $0xF7A  }
0x26: {  	[smem:$0x3F9D] =	sst s1;
	(tag) =	ssettag s2;
	_ =	strace s9  }
0x27: {  	s1 =	sld [smem:$0x3FAD]  }
0x28: {  	s2 =	sld [smem:$0x3FAE]  }
0x29: {  	s4 =	sld [smem:$0x3FB0]  }
0x2a: {  	p0 =	seq.s32 s5, $0x0;
	s5 =	sld [smem:$0x3FB1]  }
0x2b: {  	s6 =	sld [smem:$0x3FB2]  }
0x2c: {  	s7 =	sld [smem:$0x3FB3]  }
0x2d: {  	s3 =	simm.s32 $0x108;
	s8 =	sld [smem:$0x3FB4]  }
0x2e: {  	s3 =	simm.s32 @!p0 $0x1082;
	s9 =	sld [smem:$0x3FB5]  }
0x2f: {  	lr =	sadd.s32 s0, s3;
	s0 =	sld [smem:$0x3FAC]  }
0x30: {  	s3 =	sld [smem:$0x3FAF]  }
0x31: {  	[smem:$0x3FB8] =	sst s10  }
0x32: {  	s10 =	sld [smem:$0x3FB6];
	_ =	sdelay $0x3  }
0x33: {  	p0 =	seq.s32 s10, $0x1;
	s10 =	sld [smem:$0x3FB8];
	_ =	sdelay $0x3  }
0x34: {  	[smem:$0x3FB8] =	sst s10  }
0x35: {  	s10 =	sld [smem:$0x3FB7];
	_ =	sdelay $0x3  }
0x36: {  	p1 =	seq.s32 s10, $0x1;
	s10 =	sld [smem:$0x3FB8];
	_ =	sdelay $0x3  }
0x37: {  	[smem:$0x3FB8] =	sst s10  }
0x38: {  	s10 =	sld [smem:$0x3FB9]  }
0x39: {  	_ = 	snop;
	(pc) =	sbr.ind lr, $3  }
0x3a: {  	_ = 	snop  }
0x3b: {  	_ = 	snop  }
0x3c: {  	p2 =	seq.s32 s10, $0x1;
	s10 =	sld [smem:$0x3FB8]  }
0x3d: {  	_ =	shalt  }
0x3e: {  	_ =	shalt  }
0x3f: {  	_ =	shalt  }
0x40: {  	_ =	shalt  }
0x41: {  	_ =	shalt  }
0x42: {  	_ =	shalt  }
0x43: {  	_ =	shalt  }
0x44: {  	_ =	shalt  }
0x45: {  	_ =	shalt  }
0x46: {  	_ =	shalt  }
0x47: {  	_ =	shalt  }
0x48: {  	_ =	shalt  }
0x49: {  	_ =	shalt  }
0x4a: {  	_ =	shalt  }
0x4b: {  	_ =	shalt  }
0x4c: {  	_ =	shalt  }
0x4d: {  	_ =	shalt  }
0x4e: {  	_ =	shalt  }
0x4f: {  	_ =	shalt  }
0x50: {  	_ =	shalt  }
0x51: {  	_ =	shalt  }
0x52: {  	_ =	shalt  }
0x53: {  	_ =	shalt  }
0x54: {  	_ =	shalt  }
0x55: {  	_ =	shalt  }
0x56: {  	_ =	shalt  }
0x57: {  	_ =	shalt  }
0x58: {  	_ =	shalt  }
0x59: {  	_ =	shalt  }
0x5a: {  	_ =	shalt  }
0x5b: {  	_ =	shalt  }
0x5c: {  	_ =	shalt  }
0x5d: {  	_ =	shalt  }
0x5e: {  	_ =	shalt  }
0x5f: {  	_ =	shalt  }
0x60: {  	_ =	shalt  }
0x61: {  	_ =	shalt  }
0x62: {  	_ =	shalt  }
0x63: {  	_ =	shalt  }
0x64: {  	_ =	shalt  }
0x65: {  	_ =	shalt  }
0x66: {  	_ =	shalt  }
0x67: {  	_ =	shalt  }
0x68: {  	_ =	shalt  }
0x69: {  	_ =	shalt  }
0x6a: {  	_ =	shalt  }
0x6b: {  	_ =	shalt  }
0x6c: {  	_ =	shalt  }
0x6d: {  	_ =	shalt  }
0x6e: {  	_ =	shalt  }
0x6f: {  	_ =	shalt  }
0x70: {  	_ =	shalt  }
0x71: {  	_ =	shalt  }
0x72: {  	_ =	shalt  }
0x73: {  	_ =	shalt  }
0x74: {  	_ =	shalt  }
0x75: {  	_ =	shalt  }
0x76: {  	_ =	shalt  }
0x77: {  	_ =	shalt  }
0x78: {  	_ =	shalt  }
0x79: {  	_ =	shalt  }
0x7a: {  	_ =	shalt  }
0x7b: {  	_ =	shalt  }
0x7c: {  	_ =	shalt  }
0x7d: {  	_ =	shalt  }
0x7e: {  	_ =	shalt  }
0x7f: {  	_ =	shalt  }
0x80: {  	_ =	shalt  }
0x81: {  	_ =	shalt  }
0x82: {  	_ =	shalt  }
0x83: {  	_ =	shalt  }
0x84: {  	_ =	shalt  }
0x85: {  	_ =	shalt  }
0x86: {  	_ =	shalt  }
0x87: {  	_ =	shalt  }
.Lfunc_end0:
.L_simem_size_0:
called_computation.1_lowered:
.L_overlay_start_0:
0x88: {  	s2 =	sld [smem:$0x3FD9]  }
0x89: {  	s3 =	sld [smem:$0x3FFE];
	_ =	sdelay $0x1  }
0x8a: {  	s1 =	srdreg.scid  }
0x8b: {  	s0 =	sand.u32 $0x1, s1  }
0x8c: {  	s17 =	sshll.u32 s0, $0xA;
	s2 =	sadd.s32 s3, s2  }
0x8d: {  	s2 =	sadd.s32 s2, s17  }
0x8e: {  	[smem:$0x3FC4] =	sst s2  }
0x8f: {  	_ = 	snop  }
0x90: {  	s2 =	sld [smem:$0x3FD0];
	(tm) =	ssettm $0x1  }
0x91: {  	s18 =	sld [smem:$0x3FFB];
	_ =	sdelay $0x3  }
0x92: {  	_ =	strace s18  }
0x93: {  	s3 =	sld [smem:$0x3FFC];
	_ =	sdelay $0x3  }
0x94: {  	_ =	strace s3  }
0x95: {  	s3 =	sld [smem:$0x3FFD];
	_ =	sdelay $0x3  }
0x96: {  	_ =	strace s3  }
0x97: {  	_ =	strace $0x8FFFFFFF  }
0x98: {  	s19 =	sld [smem:$0x3FDB];
	_ =	sdelay $0x1  }
0x99: {  	s4 =	simm.s32 $_scs_section_size  }
0x9a: {  	s5 =	simm.s32 $_size__tile_overlayer_lowered;
	s6 =	simm.s32 $_tile_overlayer_lowered  }
0x9b: {  	s22 =	simm.s32 $0x1BFF;
	s21 =	sshll.u32 s6, $0x1;
	s3 =	sadd.s32 s4, s19  }
0x9c: {  	s7 =	simm.s32 $0x0;
	s20 =	sshll.u32 s5, $0x1;
	s5 =	sadd.s32 s21, s3  }
0x9d: {  	[timem:s7], [sflag:s22] =	dma.local [hbm:s5], s20  }
0x9e: {  	_ =	swait.ge [sflag:s22], s20  }
0x9f: {  	s4 =	ssub.s32 $0x0, s20;
	[sflag:s22] =	ssyncset.done $0x0  }
0xa0: {  	[sflag:s22] =	ssyncadd.s32 s4;
	_ =	sdelay $0x1  }
0xa1: {  	s23 =	simm.s32 $0x1B8B  }
0xa2: {  	_ =	swait.ge [sflag:s23], $0x1  }
0xa3: {  	[sflag:s23] =	ssyncset.done $0x0  }
0xa4: {  	s25 =	simm.s32 $0x1B8E;
	s24 =	sld [smem:$0x3FFE];
	[sflag:s23] =	ssyncadd.s32 $0xFFFFFFFF  }
0xa5: {  	s26 =	simm.s32 $execute0_lowered;
	[smem:$0x3FD2] =	sst s25  }
0xa6: {  	s5 =	sshll.u32 s26, $0x1;
	_ =	strace $0x80000049;
	[dreg:$0x1] =	wrdreg $0xFFFFFFFF  }
0xa7: {  	s28 =	simm.s32 $_size_execute0_lowered;
	s3 =	sadd.s32 s3, s5;
	[dreg:$0x0] =	wrdreg $0x0  }
0xa8: {  	s5 =	sshll.u32 s28, $0x1;
	[dreg:$0x2] =	wrdreg s3  }
0xa9: {  	[dreg:$0x3] =	wrdreg s5  }
0xaa: {  	[dreg:$0x4] =	wrdreg $0xC0  }
0xab: {  	_ =	task [dreg:s7], $0x5FFFF  }
0xac: {  	[dreg:$0x1] =	wrdreg $0xFFFFFFFF  }
0xad: {  	[dreg:$0x0] =	wrdreg $0x60  }
0xae: {  	[dreg:$0x2] =	wrdreg s24  }
0xaf: {  	[dreg:$0x3] =	wrdreg s2  }
0xb0: {  	[dreg:$0x4] =	wrdreg $0x9  }
0xb1: {  	_ =	task.clear_ibuf [dreg:s7], $0x5FFFF;
	_ =	strace $0x90000049  }
0xb2: {  	s29 =	simm.s32 $0x9;
	_ =	strace $0x8000004B  }
0xb3: {  	_ =	swait.ge [sflag:s29], $0x1  }
0xb4: {  	[sflag:s29] =	ssyncadd.s32 $0xFFFFFFFF  }
0xb5: {  	_ =	strace $0x9000004B  }
0xb6: {  	_ =	sfence  }
0xb7: {  	s30 =	sld [smem:$0x0];
	_ =	sdelay $0x2  }
0xb8: {  	s31 =	sshll.u32 s1, $0xD;
	s1 =	sshrl.u32 s1, $0x2  }
0xb9: {  	s3 =	sand.u32 $0x4000, s31;
	s1 =	sadd.s32 s1, s30  }
0xba: {  	s0 =	sor.u32 s3, s0;
	s1 =	sshll.u32 s1, $0x11  }
0xbb: {  	s0 =	sor.u32 s1, s0  }
0xbc: {  	s0 =	sadd.s32 $0x8F2B, s0  }
0xbd: {  	[sflag:s0] =	ssyncadd.remote.s32 $0x1  }
0xbe: {  	_ =	sfence.sel $0xFFFF  }
0xbf: {  	[dreg:$0x0] =	wrdreg $0xFFFFFFFF;
	(pc) =	sbr.abs _section_cstart, $3  }
0xc0: {  	[dreg:$0x1] =	wrdreg $0xFFFFFFFF  }
0xc1: {  	_ =	task.clear_ibuf [dreg:s7], $0x2FFFF;
	_ =	strace $0x9FFFFFFF  }
0xc2: {  	(tm) =	ssettm $0x7FFFFFFF  }
0xc3: {  	_ =	shalt  }
tec
execute0_lowered:
.L_overlay_start_1:
0x0: {  	(tag) =	ssettag $0x1  }
0x1: {  	s0 =	srdreg.scid;
	s1 =	rddreg [dreg:$0x0]  }
0x2: {  	s2 =	stileid.u32;
	s5 =	rddreg [dreg:$0x1];
	s7 =	simm.s32 $0x9  }
0x3: {  	s8 =	simm.s32 $0x80;
	s10 =	simm.s32 $0x48;
	s28 =	simm.s32 $0xD800  }
0x4: {  	s29 =	simm.s32 $0x3E8;
	s30 =	simm.s32 $0xE100;
	s31 =	simm.s32 $0x468  }
0x5: {  	s9 =	simm.s32 $0xFA00;
	s11 =	simm.s32 $0x530;
	s12 =	simm.s32 $0x10A00  }
0x6: {  	s13 =	simm.s32 $0x12C00;
	s14 =	simm.s32 $0x0;
	s0 =	sand.u32 $0x1, s0  }
0x7: {  	s3 =	sshll.u32 s2, $0x8;
	s2 =	simm.s32 $0x0;
	s4 =	sshll.u32 s0, $0x7  }
0x8: {  	[smem:$0x7FF] =	sst s2;
	s0 =	ssub.s32 $0x2, s0;
	s6 =	sor.u32 s4, s3  }
0x9: {  	_ =	strace $0x8000004A;
	s25 =	sshrl.u32 s0, $0x1;
	s3 =	smul.u32 $0x19, s6  }
0xa: {  	s0 =	ssub.s32 s0, s25;
	s26 =	sshll.u32 s6, $0x3;
	s25 =	simm.s32 $0xC800  }
0xb: {  	s5 =	sadd.s32 s5, s26;
	s6 =	smax.u32 s0, $0x1;
	s26 =	simm.s32 $0x3A0  }
0xc: {  	s0 =	simm.s32 $0x4B0;
	s24 =	sadd.s32 s3, s1;
	s3 =	sadd.s32 $0xC4800, s1  }
0xd: {  	s1 =	simm.s32 $0xF100;
	s4 =	sadd.s32 $0x126800, s24;
	s24 =	simm.s32 $0x320  }
.LBB2_1:
0xe: {  	[tilespmem:s2], [sflag:$0x9] =	stream.linear.gather [hbm4b:s4+s2], $0x6400, $0x38;
	[tilespmem:$0x14C00] =	vst v63  }
0xf: {  	_ =	swait.ge [sflag:s7], $0x6400  }
0x10: {  	[sflag:s7] =	ssyncset.done $0x0  }
0x11: {  	s15 =	simm.s32 $0x6400;
	[sflag:s7] =	ssyncadd.s32 $0xFFFF9C00  }
0x12: {  	[tilespmem:s15], [sflag:$0x1] =	stream.indirect.gather [hbm4b:s3+s8], $0x20, s2, s8, $0xb8;
	[tilespmem:$0x14C00] =	vst v63  }
0x13: {  	s20 =	simm.s32 $0x7400  }
0x14: {  	[tilespmem:s20], [sflag:$0x1] =	stream.indirect.gather [hbm4b:s3+s10], $0x20, s8, s10, $0xb8;
	[tilespmem:$0x14C00] =	vst v63  }
0x15: {  	s21 =	simm.s32 $0xC8;
	s16 =	simm.s32 $0x7D00  }
0x16: {  	[tilespmem:s16], [sflag:$0x2] =	stream.indirect.gather [hbm4b:s3+s8], $0x20, s21, s8, $0xb8;
	[tilespmem:$0x14C00] =	vst v63  }
0x17: {  	s22 =	simm.s32 $0x148;
	s23 =	simm.s32 $0x8D00  }
0x18: {  	[tilespmem:s23], [sflag:$0x2] =	stream.indirect.gather [hbm4b:s3+s10], $0x20, s22, s10, $0xb8;
	[tilespmem:$0x14C00] =	vst v63  }
0x19: {  	s17 =	simm.s32 $0x9600;
	s16 =	simm.s32 $0x190  }
0x1a: {  	[tilespmem:s17], [sflag:$0x3] =	stream.indirect.gather [hbm4b:s3+s8], $0x20, s16, s8, $0xb8;
	[tilespmem:$0x14C00] =	vst v63  }
0x1b: {  	s18 =	simm.s32 $0x210;
	s19 =	simm.s32 $0xA600  }
0x1c: {  	[tilespmem:s19], [sflag:$0x3] =	stream.indirect.gather [hbm4b:s3+s10], $0x20, s18, s10, $0xb8;
	[tilespmem:$0x14C00] =	vst v63  }
0x1d: {  	s20 =	simm.s32 $0x258;
	s21 =	simm.s32 $0xAF00  }
0x1e: {  	[tilespmem:s21], [sflag:$0x4] =	stream.indirect.gather [hbm4b:s3+s8], $0x20, s20, s8, $0xb8;
	[tilespmem:$0x14C00] =	vst v63  }
0x1f: {  	s22 =	simm.s32 $0x2D8;
	s23 =	simm.s32 $0xBF00  }
0x20: {  	[tilespmem:s23], [sflag:$0x4] =	stream.indirect.gather [hbm4b:s3+s10], $0x20, s22, s10, $0xb8;
	[tilespmem:$0x14C00] =	vst v63  }
0x21: {  	_ = 	snop  }
0x22: {  	[tilespmem:s25], [sflag:$0x5] =	stream.indirect.gather [hbm4b:s3+s8], $0x20, s24, s8, $0xb8;
	[tilespmem:$0x14C00] =	vst v63  }
0x23: {  	_ = 	snop  }
0x24: {  	[tilespmem:s28], [sflag:$0x5] =	stream.indirect.gather [hbm4b:s3+s10], $0x20, s26, s10, $0xb8;
	[tilespmem:$0x14C00] =	vst v63  }
0x25: {  	_ = 	snop  }
0x26: {  	[tilespmem:s30], [sflag:$0x6] =	stream.indirect.gather [hbm4b:s3+s8], $0x20, s29, s8, $0xb8;
	[tilespmem:$0x14C00] =	vst v63  }
0x27: {  	_ = 	snop  }
0x28: {  	[tilespmem:s1], [sflag:$0x6] =	stream.indirect.gather [hbm4b:s3+s10], $0x20, s31, s10, $0xb8;
	[tilespmem:$0x14C00] =	vst v63  }
0x29: {  	_ = 	snop  }
0x2a: {  	[tilespmem:s9], [sflag:$0x7] =	stream.indirect.gather [hbm4b:s3+s8], $0x20, s0, s8, $0xb8;
	[tilespmem:$0x14C00] =	vst v63  }
0x2b: {  	s15 =	simm.s32 $0x0;
	s16 =	simm.s32 $0x0  }
0x2c: {  	[tilespmem:s12], [sflag:$0x7] =	stream.indirect.gather [hbm4b:s3+s10], $0x20, s11, s10, $0xb8;
	[tilespmem:$0x14C00] =	vst v63  }
.LBB2_2:
0x2d: {  	p0 =	sgt.u32 s16, $0x78  }
0x2e: {  	s17 =	sadd.s32 @!p0 $0x7, s16  }
0x2f: {  	s18 =	sand.u32 @!p0 $0x7, s17  }
0x30: {  	s19 =	smul.u32 @!p0 $0x6400, s18  }
0x31: {  	s20 =	sand.u32 $0x7, s15;
	s21 =	sand.u32 $0x7, s16;
	s17 =	smul.u32 @!p0 $0x320, s17  }
0x32: {  	s20 =	smul.u32 $0x6400, s20;
	s23 =	simm.s32 @!p0 $0x80;
	s19 =	sshrl.u32 @!p0 s19, $0x2  }
0x33: {  	s18 =	sadd.s32 @!p0 $0x1, s18;
	s17 =	sshra.s32 @!p0 s17, $0x2;
	s22 =	sadd.s32 @!p0 $0x6400, s19  }
0x34: {  	[tilespmem:s22], [sflag:s18] =	stream.indirect.gather @!p0 [hbm4b:s3+s23], $0x20, s17, s23, $0xb8;
	[tilespmem:$0x14C00] =	vst v63  }
0x35: {  	s19 =	sadd.s32 @!p0 $0x7400, s19;
	s17 =	sadd.s32 @!p0 $0x80, s17;
	s22 =	simm.s32 @!p0 $0x48  }
0x36: {  	[tilespmem:s19], [sflag:s18] =	stream.indirect.gather @!p0 [hbm4b:s3+s22], $0x20, s17, s22, $0xb8;
	[tilespmem:$0x14C00] =	vst v63  }
0x37: {  	s20 =	sshrl.u32 s20, $0x2;
	s22 =	sadd.s32 $0x1, s21  }
0x38: {  	s17 =	sadd.s32 $0x6440, s20;
	_ =	swait.ge [sflag:s22], $0x1000  }
0x39: {  	v0 =	vmov s17;
	[sflag:s22] =	ssyncset.done $0x0  }
0x3a: {  	[sflag:s22] =	ssyncadd.s32 $0xFFFFF000  }
0x3b: {  	_ =	swait.ge [sflag:s22], $0x900  }
0x3c: {  	[sflag:s22] =	ssyncset.done $0x0  }
0x3d: {  	s23 =	simm.s32 $0x0;
	[sflag:s22] =	ssyncadd.s32 $0xFFFFF700  }
0x3e: {  	v2 =	vld.idx.msk [tilespmem:v0+s23+$0x20 ss:$0x1], $0xffff  }
0x3f: {  	v3 =	vld.idx.msk [tilespmem:v0+s23+$0x0 ss:$0x1], $0xffff  }
0x40: {  	v4 =	vld.idx.msk [tilespmem:v0+s23+$0xFFFFFFE0 ss:$0x1], $0xffff  }
0x41: {  	v5 =	vld.idx.msk [tilespmem:v0+s23+$0xFFFFFFC0 ss:$0x1], $0xffff  }
0x42: {  	v6 =	vld.idx.msk [tilespmem:v0+s23+$0xFFFFFFD0 ss:$0x1], $0xffff;
	_ =	sdelay $0x1  }
0x43: {  	v7 =	vimm.f32 $0.0e+00;
	v8 =	vld.idx.msk [tilespmem:v0+s23+$0xFFFFFFF0 ss:$0x1], $0xffff  }
0x44: {  	v11 =	vshll.u32 v3, $0x10;
	v1 =	vshll.u32 v2, $0x10;
	v2 =	vand.u32 $0xFFFF0000, v2  }
0x45: {  	v14 =	vld.idx.msk [tilespmem:v0+s23+$0x10 ss:$0x1], $0xffff;
	v9 =	vshll.u32 v4, $0x10;
	v10 =	vand.u32 $0xFFFF0000, v4;
	v12 =	vand.u32 $0xFFFF0000, v3  }
0x46: {  	s17 =	simm.s32 $0x80;
	v3 =	vshll.u32 v5, $0x10;
	v13 =	vand.u32 $0xFFFF0000, v5;
	v15 =	vshll.u32 v6, $0x10;
	v5 =	vld.idx.msk [tilespmem:v0+s23+$0x30 ss:$0x1], $0xffff  }
0x47: {  	v4 =	vld.idx.msk [tilespmem:v0+s17+$0x20 ss:$0x1], $0xffff;
	v6 =	vand.u32 $0xFFFF0000, v6;
	v16 =	vadd.f32 v3, v7;
	v13 =	vadd.f32 v13, v7  }
0x48: {  	v17 =	vshll.u32 v8, $0x10;
	v3 =	vld.idx.msk [tilespmem:v0+s17+$0x0 ss:$0x1], $0xffff;
	v15 =	vadd.f32 v15, v7;
	v6 =	vadd.f32 v6, v7  }
0x49: {  	v7 =	vld.idx.msk [tilespmem:v0+s17+$0xFFFFFFE0 ss:$0x1], $0xffff;
	v16 =	vadd.f32 v9, v16;
	v18 =	vadd.f32 v10, v13;
	v10 =	vand.u32 $0xFFFF0000, v8  }
0x4a: {  	v8 =	vld.idx.msk [tilespmem:v0+s17+$0xFFFFFFC0 ss:$0x1], $0xffff;
	v9 =	vadd.f32 v17, v15;
	v13 =	vshll.u32 v14, $0x10;
	v10 =	vadd.f32 v10, v6  }
0x4b: {  	s18 =	simm.s32 $0x400;
	v14 =	vand.u32 $0xFFFF0000, v14;
	v6 =	vld.idx.msk [tilespmem:v0+s17+$0xFFFFFFD0 ss:$0x1], $0xffff;
	v11 =	vadd.f32 v11, v16;
	v12 =	vadd.f32 v12, v18  }
.LBB2_3:
0x4c: {  	p0 =	sne.s32 s18, $0x6200;
	v9 =	vadd.f32 v13, v9;
	v10 =	vadd.f32 v14, v10;
	v13 =	vshll.u32 v5, $0x10  }
0x4d: {  	v14 =	vld.idx.msk [tilespmem:v0+s17+$0xFFFFFFF0 ss:$0x1], $0xffff;
	v11 =	vadd.f32 v1, v11;
	v12 =	vadd.f32 v2, v12;
	v1 =	vand.u32 $0xFFFF0000, v5  }
0x4e: {  	v9 =	vadd.f32 v13, v9;
	v10 =	vadd.f32 v1, v10  }
0x4f: {  	v15 =	vshll.u32 v3, $0x10;
	v2 =	vand.u32 $0xFFFF0000, v4;
	v1 =	vshll.u32 v4, $0x10;
	v16 =	vld.idx.msk [tilespmem:v0+s17+$0x10 ss:$0x1], $0xffff  }
0x50: {  	v18 =	vand.u32 $0xFFFF0000, v3;
	v13 =	vshll.u32 v7, $0x10;
	v17 =	vand.u32 $0xFFFF0000, v7  }
0x51: {  	v3 =	vshll.u32 v8, $0x10;
	v7 =	vand.u32 $0xFFFF0000, v8;
	v8 =	vshll.u32 v6, $0x10;
	v5 =	vld.idx.msk [tilespmem:v0+s17+$0x30 ss:$0x1], $0xffff;
	s17 =	sshra.s32 s18, $0x2  }
.Ltmp0:
0x52: {  	v11 =	vadd.f32 v3, v11;
	v12 =	vadd.f32 v7, v12;
	v6 =	vand.u32 $0xFFFF0000, v6;
	v4 =	vld.idx.msk [tilespmem:v0+s17+$0x20 ss:$0x1], $0xffff;
	(pc) =	sbr.rel @p0 .LBB2_3-.Ltmp0, $4  }
0x53: {  	v9 =	vadd.f32 v8, v9;
	v6 =	vadd.f32 v6, v10;
	v10 =	vshll.u32 v14, $0x10;
	v3 =	vld.idx.msk [tilespmem:v0+s17+$0x0 ss:$0x1], $0xffff  }
0x54: {  	v11 =	vadd.f32 v13, v11;
	v12 =	vadd.f32 v17, v12;
	v13 =	vand.u32 $0xFFFF0000, v14;
	v7 =	vld.idx.msk [tilespmem:v0+s17+$0xFFFFFFE0 ss:$0x1], $0xffff  }
0x55: {  	v9 =	vadd.f32 v10, v9;
	v10 =	vadd.f32 v13, v6;
	v13 =	vshll.u32 v16, $0x10;
	v8 =	vld.idx.msk [tilespmem:v0+s17+$0xFFFFFFC0 ss:$0x1], $0xffff  }
0x56: {  	s18 =	sadd.s32 $0x200, s18;
	v11 =	vadd.f32 v15, v11;
	v12 =	vadd.f32 v18, v12;
	v14 =	vand.u32 $0xFFFF0000, v16;
	v6 =	vld.idx.msk [tilespmem:v0+s17+$0xFFFFFFD0 ss:$0x1], $0xffff  }
0x57: {  	_ = 	snop  }
0x58: {  	v9 =	vadd.f32 v13, v9  }
0x59: {  	v10 =	vadd.f32 v14, v10;
	v43 =	vshll.u32 v5, $0x10;
	v44 =	vand.u32 $0xFFFF0000, v5  }
0x5a: {  	v47 =	vshll.u32 v4, $0x10;
	v48 =	vand.u32 $0xFFFF0000, v4;
	v1 =	vadd.f32 v1, v11  }
0x5b: {  	v45 =	vld.idx.msk [tilespmem:v0+s17+$0xFFFFFFF0 ss:$0x1], $0xffff;
	v2 =	vadd.f32 v2, v12;
	v46 =	vshll.u32 v3, $0x10;
	v53 =	vand.u32 $0xFFFF0000, v3  }
0x5c: {  	v9 =	vadd.f32 v43, v9;
	v5 =	vadd.f32 v44, v10;
	v50 =	vshll.u32 v8, $0x10  }
0x5d: {  	v15 =	vld.idx.msk [tilespmem:v0+s17+$0x10 ss:$0x1], $0xffff;
	v49 =	vshll.u32 v7, $0x10;
	v52 =	vand.u32 $0xFFFF0000, v8;
	v1 =	vadd.f32 v50, v1  }
0x5e: {  	v51 =	vand.u32 $0xFFFF0000, v7;
	v54 =	vshll.u32 v6, $0x10;
	v2 =	vadd.f32 v52, v2  }
0x5f: {  	v55 =	vld.idx.msk [tilespmem:v0+s17+$0x30 ss:$0x1], $0xffff;
	v56 =	vand.u32 $0xFFFF0000, v6;
	v57 =	vadd.f32 v54, v9;
	v1 =	vadd.f32 v49, v1  }
0x60: {  	v5 =	vadd.f32 v56, v5;
	v58 =	vshll.u32 v45, $0x10;
	v2 =	vadd.f32 v51, v2  }
0x61: {  	v59 =	vand.u32 $0xFFFF0000, v45;
	v6 =	vadd.f32 v58, v57;
	v1 =	vadd.f32 v46, v1  }
0x62: {  	s23 =	sshll.u32 s16, $0x6;
	s16 =	sadd.s32 $0x1, s16;
	v60 =	vshll.u32 v15, $0x10;
	v5 =	vadd.f32 v59, v5;
	v2 =	vadd.f32 v53, v2  }
0x63: {  	p0 =	sne.s32 s16, $0x80;
	v61 =	vand.u32 $0xFFFF0000, v15;
	v6 =	vadd.f32 v60, v6;
	v1 =	vadd.f32 v47, v1  }
.Ltmp1:
0x64: {  	s17 =	sand.u32 $0x3FFFFFC0, s23;
	v62 =	vshll.u32 v55, $0x10;
	v3 =	vadd.f32 v61, v5;
	v2 =	vadd.f32 v48, v2;
	(pc) =	sbr.rel @p0 .LBB2_2-.Ltmp1, $4  }
0x65: {  	v0 =	vand.u32 $0xFFFF0000, v55;
	v63 =	vadd.f32 v62, v6;
	[tilespmem:s17+$0x12C00] =	vst v1  }
0x66: {  	v0 =	vadd.f32 v0, v3;
	[tilespmem:s17+$0x12C10] =	vst v2  }
0x67: {  	[tilespmem:s17+$0x12C20] =	vst v63  }
0x68: {  	s15 =	sadd.s32 $0x1, s15;
	[tilespmem:s17+$0x12C30] =	vst v0  }
0x69: {  	s14 =	sadd.s32 $0x1, s14  }
0x6a: {  	p0 =	sne.s32 s14, s6  }
.Ltmp2:
0x6b: {  	_ = 	snop;
	(pc) =	sbr.rel @p0 .LBB2_1-.Ltmp2, $4  }
0x6c: {  	[hbm4b:s5+s2] =	stream.linear.scatter [tilespmem:s13], [sflag:$0x9], $0x2000, $0x38;
	[tilespmem:$0x14C00] =	vst v63  }
0x6d: {  	_ =	swait.ge [sflag:s7], $0x2000  }
0x6e: {  	[sflag:s7] =	ssyncset.done $0x0  }
0x6f: {  	[sflag:s7] =	ssyncadd.s32 $0xFFFFE000  }
0x70: {  	_ =	sfence.sel $0x180000  }
0x71: {  	[bflag:$0x0] =	sbarrier.arrive $0xFFFF  }
0x72: {  	_ =	strace $0x9000004A  }
0x73: {  	s0 =	stileid.u32;
	[bflag:$0x2] =	sbarrier.arrive $0xFFFF  }
0x74: {  	p0 =	sne.s32 s0, $0x0;
	s0 =	rddreg [dreg:$0x2]  }
0x75: {  	s0 =	sadd.s32 @!p0 $0x100000, s0  }
0x76: {  	[sflag:s0] =	ssyncadd.tile.s32 @!p0 $0x1;
	_ =	shalt  }
.Lfunc_end2:
_tile_overlayer_lowered:
.L_overlay_start_2:
0x77: {  	(tag) =	ssettag $0x2  }
0x78: {  	s0 =	rddreg [dreg:$0x0];
	s2 =	stileid.u32  }
0x79: {  	s1 =	rddreg [dreg:$0x1];
	p0 =	sne.s32 s2, $0x0  }
0x7a: {  	s3 =	rddreg [dreg:$0x2];
	[bflag:$0x3] =	sbarrier.arrive $0xFFFF;
	s2 =	simm.s32 @!p0 $0x1C09  }
0x7b: {  	[timem:s3], [sflag:s2] =	dma.local @!p0 [hbm:s0], s1  }
0x7c: {  	s0 =	simm.s32 @!p0 $0x9  }
0x7d: {  	_ =	swait.ge @!p0 [sflag:s0], s1  }
0x7e: {  	s1 =	ssub.s32 @!p0 $0x0, s1;
	[sflag:s0] =	ssyncset.done @!p0 $0x0  }
0x7f: {  	[sflag:s0] =	ssyncadd.s32 @!p0 s1  }
0x80: {  	[bflag:$0x3] =	sbarrier.arrive $0xFFFF  }
0x81: {  	_ =	shalt  }

</sc_bundles>
